<compile_context>
chip_gen: v7x
topology: tpu7x:2x2x1
jax: 0.10.2.dev20260603
libtpu: 0.0.44.dev20260713+nightly
codegen_flags: <defaults>
</compile_context>

<pallas_src>
import functools

import jax
import jax.numpy as jnp
from jax import lax
from jax.experimental import pallas as pl
from jax.experimental.pallas import tpu as pltpu
from jax.experimental.pallas import tpu_sc as plsc

_K = 32
_R = 1024


@functools.lru_cache(maxsize=2)
def _ei_sc_kernel(bsz, n, n2):
    rtot = bsz * n
    ne = rtot * n2
    info = plsc.get_sparse_core_info()
    nw = info.num_cores * info.num_subcores
    rpw = rtot // nw
    ch = min(16, rpw)
    nch = rpw // ch
    nvec = n2 // 16
    mesh = plsc.VectorSubcoreMesh(core_axis_name="c", subcore_axis_name="s")

    @functools.partial(
        pl.kernel, mesh=mesh,
        out_type=jax.ShapeDtypeStruct((2, ne), jnp.int32),
        scratch_types=[
            pltpu.VMEM((ch * n2,), jnp.int32),
            pltpu.VMEM((ch * n2,), jnp.int32),
        ],
    )
    def k(out_hbm, sbuf, dbuf):
        wid = lax.axis_index("s") * info.num_cores + lax.axis_index("c")
        row0 = wid * rpw
        bbase = (row0 // n) * n
        lane = lax.iota(jnp.int32, 16)

        def fill_dst(ci, carry):
            for j in range(nvec):
                dbuf[pl.ds(ci * n2 + j * 16, 16)] = bbase + j * 16 + lane
            return carry

        lax.fori_loop(0, ch, fill_dst, 0)

        def do_chunk(ci, carry):
            def fill_src(rr, c2):
                rv = jnp.broadcast_to(row0 + ci * ch + rr, (16,)).astype(
                    jnp.int32)
                for j in range(nvec):
                    sbuf[pl.ds(rr * n2 + j * 16, 16)] = rv
                return c2

            lax.fori_loop(0, ch, fill_src, 0)
            base = (row0 + ci * ch) * n2
            pltpu.sync_copy(sbuf, out_hbm.at[0, pl.ds(base, ch * n2)])
            pltpu.sync_copy(dbuf, out_hbm.at[1, pl.ds(base, ch * n2)])
            return carry

        lax.fori_loop(0, nch, do_chunk, 0)

    return k


def _body(x_ref, adj_ref, ew_ref, ll_ref):
    x = x_ref[...]
    r, n = x.shape
    xt = x.T

    s = jnp.sum(jnp.exp(xt), axis=0, keepdims=True)
    lse = jnp.log(s)

    def unmap(i32):
        return jax.lax.bitcast_convert_type(
            i32 ^ ((i32 >> 31) & jnp.int32(0x7FFFFFFF)), jnp.float32)

    lo0 = jnp.full((1, r), jnp.iinfo(jnp.int32).min, dtype=jnp.int32)
    hi0 = jnp.full((1, r), jnp.iinfo(jnp.int32).max, dtype=jnp.int32)

    def step(_, carry):
        lo, hi = carry
        mid = lo + jax.lax.shift_right_logical(hi - lo, 1)
        cnt = jnp.sum((xt > unmap(mid)).astype(jnp.int32),
                      axis=0, keepdims=True)
        big = cnt >= _K
        return jnp.where(big, mid + 1, lo), jnp.where(big, hi, mid)

    t, _hi = jax.lax.fori_loop(0, 32, step, (lo0, hi0))
    tf_t = unmap(t)

    mask_t = xt >= tf_t
    msum = jnp.sum(jnp.where(mask_t, xt, 0.0), axis=0)
    ll_ref[...] = msum - _K * lse[0]

    mask = mask_t.astype(jnp.float32).T
    adj_ref[0] = mask
    ew_ref[...] = mask.reshape(r * n)


def kernel(scores):
    bsz, n, n2 = scores.shape
    rtot = bsz * n
    r = _R if rtot % _R == 0 else rtot
    grid = rtot // r
    x2 = scores.reshape(rtot, n2)
    adj3, ew2, ll1 = pl.pallas_call(
        _body,
        grid=(grid,),
        in_specs=[pl.BlockSpec((r, n2), lambda i: (i, 0))],
        out_specs=[
            pl.BlockSpec((1, r, n2), lambda i: (i // (n // r), i % (n // r), 0)),
            pl.BlockSpec((r * n2,), lambda i: (i,)),
            pl.BlockSpec((r,), lambda i: (i,)),
        ],
        out_shape=[
            jax.ShapeDtypeStruct((bsz, n, n2), jnp.float32),
            jax.ShapeDtypeStruct((rtot * n2,), jnp.float32),
            jax.ShapeDtypeStruct((rtot,), jnp.float32),
        ],
        compiler_params=pltpu.CompilerParams(
            dimension_semantics=("parallel",)),
    )(x2)
    ei2 = _ei_sc_kernel(bsz, n, n2)()
    return (
        adj3,
        ei2,
        ew2,
        ll1.reshape(bsz, n),
    )

# --- scband reference (transcript-rebuilt; emitter-appended) ---
"""Pipeline reference for scband-graph-sampler-32598801776712 (READ-ONLY COPY).

The authoritative reference and input builder live on the scoring server;
editing this copy changes nothing except your own understanding.
"""

import jax, jax.numpy as jnp
import numpy as np

TAU = 1.0
K = 32


def setup_inputs(seed: int = 0) -> dict:
    key = jax.random.key(seed)
    scores = jax.random.normal(key, (8, 1024, 1024), dtype=jnp.float32)
    return {"scores": scores}


def _straight_through_subset_sampler(scores, tau, k):
    # StraightThroughSubsetSampler: per-row top-k subset selection with
    # straight-through gradient via the row-softmax relaxation.
    logits = scores / tau
    soft = jax.nn.softmax(logits, axis=-1)
    _, topi = jax.lax.top_k(logits, k)  # [B, N, k]
    B, N, _ = scores.shape
    b = jnp.arange(B)[:, None, None]
    n = jnp.arange(N)[None, :, None]
    hard = jnp.zeros_like(scores).at[b, n, topi].set(1.0)  # [B, N, N] binary adjacency
    adj = hard + soft - jax.lax.stop_gradient(soft)  # straight-through estimator
    logp = jax.nn.log_softmax(logits, axis=-1)
    ll = jnp.take_along_axis(logp, topi, axis=-1).sum(axis=-1)  # [B, N] log-likelihood per node
    return adj, ll


def _adjs_to_fc_edge_index(adjs):
    # Fully-connected edge index; edge weights are the (relaxed) adjacency entries.
    B, N = adjs.shape[0], adjs.shape[-1]
    src = jnp.repeat(jnp.arange(N, dtype=jnp.int64), N)
    dst = jnp.tile(jnp.arange(N, dtype=jnp.int64), N)
    offs = (jnp.arange(B, dtype=jnp.int64) * N)[:, None]
    edge_index = jnp.stack([
        (src[None, :] + offs).reshape(-1),
        (dst[None, :] + offs).reshape(-1),
    ], axis=0)
    edge_weight = adjs.reshape(-1)
    return edge_index, edge_weight


def reference(scores):
    # GraphSampler.forward with mode='st', sampler_type='sns', dummy_nodes=0
    adj, ll = _straight_through_subset_sampler(scores, TAU, K)
    edge_index, edge_weight = _adjs_to_fc_edge_index(adj)
    return (adj, edge_index, edge_weight, ll)

if __name__ == "__main__":
    import jax
    _d = setup_inputs()
    print(jax.jit(kernel)(*tuple(_d.values())))

</pallas_src>

<mosaic_0001>
#map = affine_map<(d0, d1) -> (0, 0)>
module attributes {stable_mosaic.version = 14 : i64} {
  func.func @k(%arg0: i32, %arg1: i32, %arg2: memref<2x8388608xi32, #tpu.memory_space<hbm>>, %arg3: memref<16384xi32, #tpu.memory_space<vmem>>, %arg4: memref<16384xi32, #tpu.memory_space<vmem>>) attributes {dimension_semantics = [#tpu.dimension_semantics<core_parallel>, #tpu.dimension_semantics<subcore_parallel>], iteration_bounds = array<i64: 2, 16>, scalar_prefetch = 0 : i64, scratch_operands = 2 : i64, tpu.core_type = #tpu.core_type<sc_vector_subcore>, window_params = [{transform_indices = #map}]} {
    %mul3A = arith.constant 2 : i32
    %mul3A_0 = arith.muli %arg1, %mul3A : i32
    %add3A = arith.addi %mul3A_0, %arg0 : i32
    %mul3A_1 = arith.constant 256 : i32
    %mul3A_2 = arith.muli %add3A, %mul3A_1 : i32
    %jit3A = arith.constant 1024 : i32
    %div3A = arith.divsi %mul3A_2, %jit3A : i32
    %sign3A = arith.constant 0 : i32
    %sign3A_3 = arith.cmpi sgt, %mul3A_2, %sign3A : i32
    %sign3A_4 = arith.extui %sign3A_3 : i1 to i32
    %sign3A_5 = arith.constant 0 : i32
    %sign3A_6 = arith.cmpi slt, %mul3A_2, %sign3A_5 : i32
    %sign3A_7 = arith.extui %sign3A_6 : i1 to i32
    %sign3A_8 = arith.subi %sign3A_4, %sign3A_7 : i32
    %sign3A_9 = arith.constant 0 : i32
    %sign3A_10 = arith.cmpi sgt, %jit3A, %sign3A_9 : i32
    %sign3A_11 = arith.extui %sign3A_10 : i1 to i32
    %sign3A_12 = arith.constant 0 : i32
    %sign3A_13 = arith.cmpi slt, %jit3A, %sign3A_12 : i32
    %sign3A_14 = arith.extui %sign3A_13 : i1 to i32
    %sign3A_15 = arith.subi %sign3A_11, %sign3A_14 : i32
    %ne3A = arith.cmpi ne, %sign3A_8, %sign3A_15 : i32
    %rem3A = arith.remsi %mul3A_2, %jit3A : i32
    %ne3A_16 = arith.constant 0 : i32
    %ne3A_17 = arith.cmpi ne, %rem3A, %ne3A_16 : i32
    %and3A = arith.andi %ne3A, %ne3A_17 : i1
    %sub3A = arith.constant 1 : i32
    %sub3A_18 = arith.subi %div3A, %sub3A : i32
    %select_n3A = arith.select %and3A, %sub3A_18, %div3A : i32
    %mul3A_19 = arith.constant 1024 : i32
    %mul3A_20 = arith.muli %select_n3A, %mul3A_19 : i32
    %iota3A = tpu.iota {dimensions = array<i32: 0>} : vector<16xi32>
    %scan3A = arith.constant 0 : i32
    %scan3A_21 = arith.constant 0 : i32
    %scan3A_22 = arith.constant 16 : i32
    %scan3A_23 = arith.addi %scan3A_21, %scan3A_22 : i32
    %scan3A_24 = arith.constant 1 : i32
    scf.for %scan3A_32 = %scan3A_21 to %scan3A_23 step %scan3A_24  : i32 {
      %add3A_33 = arith.constant 0 : i32
      %add3A_34 = arith.addi %mul3A_20, %add3A_33 : i32
      %add3A_35 = vector.broadcast %add3A_34 : i32 to vector<16xi32>
      %add3A_36 = arith.addi %add3A_35, %iota3A : vector<16xi32>
      %mul3A_37 = arith.constant 1024 : i32
      %mul3A_38 = arith.muli %scan3A_32, %mul3A_37 : i32
      %add3A_39 = arith.constant 0 : i32
      %add3A_40 = arith.addi %mul3A_38, %add3A_39 : i32
      %swap3A = arith.index_cast %add3A_40 : i32 to index
      %swap3A_41 = tpu.vector_load %arg4[%swap3A] {strides = array<i32>} : memref<16384xi32, #tpu.memory_space<vmem>>, vector<16xi32>,
      %swap3A_42 = vector.shape_cast %swap3A_41 : vector<16xi32> to vector<16xi32>
      %swap3A_43 = vector.shape_cast %add3A_36 : vector<16xi32> to vector<16xi32>
      tpu.vector_store %arg4[%swap3A], %swap3A_43 {strides = array<i32>} : memref<16384xi32, #tpu.memory_space<vmem>>, vector<16xi32>,
      %add3A_44 = arith.constant 16 : i32
      %add3A_45 = arith.addi %mul3A_20, %add3A_44 : i32
      %add3A_46 = vector.broadcast %add3A_45 : i32 to vector<16xi32>
      %add3A_47 = arith.addi %add3A_46, %iota3A : vector<16xi32>
      %mul3A_48 = arith.constant 1024 : i32
      %mul3A_49 = arith.muli %scan3A_32, %mul3A_48 : i32
      %add3A_50 = arith.constant 16 : i32
      %add3A_51 = arith.addi %mul3A_49, %add3A_50 : i32
      %swap3A_52 = arith.index_cast %add3A_51 : i32 to index
      %swap3A_53 = tpu.vector_load %arg4[%swap3A_52] {strides = array<i32>} : memref<16384xi32, #tpu.memory_space<vmem>>, vector<16xi32>,
      %swap3A_54 = vector.shape_cast %swap3A_53 : vector<16xi32> to vector<16xi32>
      %swap3A_55 = vector.shape_cast %add3A_47 : vector<16xi32> to vector<16xi32>
      tpu.vector_store %arg4[%swap3A_52], %swap3A_55 {strides = array<i32>} : memref<16384xi32, #tpu.memory_space<vmem>>, vector<16xi32>,
      %add3A_56 = arith.constant 32 : i32
      %add3A_57 = arith.addi %mul3A_20, %add3A_56 : i32
      %add3A_58 = vector.broadcast %add3A_57 : i32 to vector<16xi32>
      %add3A_59 = arith.addi %add3A_58, %iota3A : vector<16xi32>
      %mul3A_60 = arith.constant 1024 : i32
      %mul3A_61 = arith.muli %scan3A_32, %mul3A_60 : i32
      %add3A_62 = arith.constant 32 : i32
      %add3A_63 = arith.addi %mul3A_61, %add3A_62 : i32
      %swap3A_64 = arith.index_cast %add3A_63 : i32 to index
      %swap3A_65 = tpu.vector_load %arg4[%swap3A_64] {strides = array<i32>} : memref<16384xi32, #tpu.memory_space<vmem>>, vector<16xi32>,
      %swap3A_66 = vector.shape_cast %swap3A_65 : vector<16xi32> to vector<16xi32>
      %swap3A_67 = vector.shape_cast %add3A_59 : vector<16xi32> to vector<16xi32>
      tpu.vector_store %arg4[%swap3A_64], %swap3A_67 {strides = array<i32>} : memref<16384xi32, #tpu.memory_space<vmem>>, vector<16xi32>,
      %add3A_68 = arith.constant 48 : i32
      %add3A_69 = arith.addi %mul3A_20, %add3A_68 : i32
      %add3A_70 = vector.broadcast %add3A_69 : i32 to vector<16xi32>
      %add3A_71 = arith.addi %add3A_70, %iota3A : vector<16xi32>
      %mul3A_72 = arith.constant 1024 : i32
      %mul3A_73 = arith.muli %scan3A_32, %mul3A_72 : i32
      %add3A_74 = arith.constant 48 : i32
      %add3A_75 = arith.addi %mul3A_73, %add3A_74 : i32
      %swap3A_76 = arith.index_cast %add3A_75 : i32 to index
      %swap3A_77 = tpu.vector_load %arg4[%swap3A_76] {strides = array<i32>} : memref<16384xi32, #tpu.memory_space<vmem>>, vector<16xi32>,
      %swap3A_78 = vector.shape_cast %swap3A_77 : vector<16xi32> to vector<16xi32>
      %swap3A_79 = vector.shape_cast %add3A_71 : vector<16xi32> to vector<16xi32>
      tpu.vector_store %arg4[%swap3A_76], %swap3A_79 {strides = array<i32>} : memref<16384xi32, #tpu.memory_space<vmem>>, vector<16xi32>,
      %add3A_80 = arith.constant 64 : i32
      %add3A_81 = arith.addi %mul3A_20, %add3A_80 : i32
      %add3A_82 = vector.broadcast %add3A_81 : i32 to vector<16xi32>
      %add3A_83 = arith.addi %add3A_82, %iota3A : vector<16xi32>
      %mul3A_84 = arith.constant 1024 : i32
      %mul3A_85 = arith.muli %scan3A_32, %mul3A_84 : i32
      %add3A_86 = arith.constant 64 : i32
      %add3A_87 = arith.addi %mul3A_85, %add3A_86 : i32
      %swap3A_88 = arith.index_cast %add3A_87 : i32 to index
      %swap3A_89 = tpu.vector_load %arg4[%swap3A_88] {strides = array<i32>} : memref<16384xi32, #tpu.memory_space<vmem>>, vector<16xi32>,
      %swap3A_90 = vector.shape_cast %swap3A_89 : vector<16xi32> to vector<16xi32>
      %swap3A_91 = vector.shape_cast %add3A_83 : vector<16xi32> to vector<16xi32>
      tpu.vector_store %arg4[%swap3A_88], %swap3A_91 {strides = array<i32>} : memref<16384xi32, #tpu.memory_space<vmem>>, vector<16xi32>,
      %add3A_92 = arith.constant 80 : i32
      %add3A_93 = arith.addi %mul3A_20, %add3A_92 : i32
      %add3A_94 = vector.broadcast %add3A_93 : i32 to vector<16xi32>
      %add3A_95 = arith.addi %add3A_94, %iota3A : vector<16xi32>
      %mul3A_96 = arith.constant 1024 : i32
      %mul3A_97 = arith.muli %scan3A_32, %mul3A_96 : i32
      %add3A_98 = arith.constant 80 : i32
      %add3A_99 = arith.addi %mul3A_97, %add3A_98 : i32
      %swap3A_100 = arith.index_cast %add3A_99 : i32 to index
      %swap3A_101 = tpu.vector_load %arg4[%swap3A_100] {strides = array<i32>} : memref<16384xi32, #tpu.memory_space<vmem>>, vector<16xi32>,
      %swap3A_102 = vector.shape_cast %swap3A_101 : vector<16xi32> to vector<16xi32>
      %swap3A_103 = vector.shape_cast %add3A_95 : vector<16xi32> to vector<16xi32>
      tpu.vector_store %arg4[%swap3A_100], %swap3A_103 {strides = array<i32>} : memref<16384xi32, #tpu.memory_space<vmem>>, vector<16xi32>,
      %add3A_104 = arith.constant 96 : i32
      %add3A_105 = arith.addi %mul3A_20, %add3A_104 : i32
      %add3A_106 = vector.broadcast %add3A_105 : i32 to vector<16xi32>
      %add3A_107 = arith.addi %add3A_106, %iota3A : vector<16xi32>
      %mul3A_108 = arith.constant 1024 : i32
      %mul3A_109 = arith.muli %scan3A_32, %mul3A_108 : i32
      %add3A_110 = arith.constant 96 : i32
      %add3A_111 = arith.addi %mul3A_109, %add3A_110 : i32
      %swap3A_112 = arith.index_cast %add3A_111 : i32 to index
      %swap3A_113 = tpu.vector_load %arg4[%swap3A_112] {strides = array<i32>} : memref<16384xi32, #tpu.memory_space<vmem>>, vector<16xi32>,
      %swap3A_114 = vector.shape_cast %swap3A_113 : vector<16xi32> to vector<16xi32>
      %swap3A_115 = vector.shape_cast %add3A_107 : vector<16xi32> to vector<16xi32>
      tpu.vector_store %arg4[%swap3A_112], %swap3A_115 {strides = array<i32>} : memref<16384xi32, #tpu.memory_space<vmem>>, vector<16xi32>,
      %add3A_116 = arith.constant 112 : i32
      %add3A_117 = arith.addi %mul3A_20, %add3A_116 : i32
      %add3A_118 = vector.broadcast %add3A_117 : i32 to vector<16xi32>
      %add3A_119 = arith.addi %add3A_118, %iota3A : vector<16xi32>
      %mul3A_120 = arith.constant 1024 : i32
      %mul3A_121 = arith.muli %scan3A_32, %mul3A_120 : i32
      %add3A_122 = arith.constant 112 : i32
      %add3A_123 = arith.addi %mul3A_121, %add3A_122 : i32
      %swap3A_124 = arith.index_cast %add3A_123 : i32 to index
      %swap3A_125 = tpu.vector_load %arg4[%swap3A_124] {strides = array<i32>} : memref<16384xi32, #tpu.memory_space<vmem>>, vector<16xi32>,
      %swap3A_126 = vector.shape_cast %swap3A_125 : vector<16xi32> to vector<16xi32>
      %swap3A_127 = vector.shape_cast %add3A_119 : vector<16xi32> to vector<16xi32>
      tpu.vector_store %arg4[%swap3A_124], %swap3A_127 {strides = array<i32>} : memref<16384xi32, #tpu.memory_space<vmem>>, vector<16xi32>,
      %add3A_128 = arith.constant 128 : i32
      %add3A_129 = arith.addi %mul3A_20, %add3A_128 : i32
      %add3A_130 = vector.broadcast %add3A_129 : i32 to vector<16xi32>
      %add3A_131 = arith.addi %add3A_130, %iota3A : vector<16xi32>
      %mul3A_132 = arith.constant 1024 : i32
      %mul3A_133 = arith.muli %scan3A_32, %mul3A_132 : i32
      %add3A_134 = arith.constant 128 : i32
      %add3A_135 = arith.addi %mul3A_133, %add3A_134 : i32
      %swap3A_136 = arith.index_cast %add3A_135 : i32 to index
      %swap3A_137 = tpu.vector_load %arg4[%swap3A_136] {strides = array<i32>} : memref<16384xi32, #tpu.memory_space<vmem>>, vector<16xi32>,
      %swap3A_138 = vector.shape_cast %swap3A_137 : vector<16xi32> to vector<16xi32>
      %swap3A_139 = vector.shape_cast %add3A_131 : vector<16xi32> to vector<16xi32>
      tpu.vector_store %arg4[%swap3A_136], %swap3A_139 {strides = array<i32>} : memref<16384xi32, #tpu.memory_space<vmem>>, vector<16xi32>,
      %add3A_140 = arith.constant 144 : i32
      %add3A_141 = arith.addi %mul3A_20, %add3A_140 : i32
      %add3A_142 = vector.broadcast %add3A_141 : i32 to vector<16xi32>
      %add3A_143 = arith.addi %add3A_142, %iota3A : vector<16xi32>
      %mul3A_144 = arith.constant 1024 : i32
      %mul3A_145 = arith.muli %scan3A_32, %mul3A_144 : i32
      %add3A_146 = arith.constant 144 : i32
      %add3A_147 = arith.addi %mul3A_145, %add3A_146 : i32
      %swap3A_148 = arith.index_cast %add3A_147 : i32 to index
      %swap3A_149 = tpu.vector_load %arg4[%swap3A_148] {strides = array<i32>} : memref<16384xi32, #tpu.memory_space<vmem>>, vector<16xi32>,
      %swap3A_150 = vector.shape_cast %swap3A_149 : vector<16xi32> to vector<16xi32>
      %swap3A_151 = vector.shape_cast %add3A_143 : vector<16xi32> to vector<16xi32>
      tpu.vector_store %arg4[%swap3A_148], %swap3A_151 {strides = array<i32>} : memref<16384xi32, #tpu.memory_space<vmem>>, vector<16xi32>,
      %add3A_152 = arith.constant 160 : i32
      %add3A_153 = arith.addi %mul3A_20, %add3A_152 : i32
      %add3A_154 = vector.broadcast %add3A_153 : i32 to vector<16xi32>
      %add3A_155 = arith.addi %add3A_154, %iota3A : vector<16xi32>
      %mul3A_156 = arith.constant 1024 : i32
      %mul3A_157 = arith.muli %scan3A_32, %mul3A_156 : i32
      %add3A_158 = arith.constant 160 : i32
      %add3A_159 = arith.addi %mul3A_157, %add3A_158 : i32
      %swap3A_160 = arith.index_cast %add3A_159 : i32 to index
      %swap3A_161 = tpu.vector_load %arg4[%swap3A_160] {strides = array<i32>} : memref<16384xi32, #tpu.memory_space<vmem>>, vector<16xi32>,
      %swap3A_162 = vector.shape_cast %swap3A_161 : vector<16xi32> to vector<16xi32>
      %swap3A_163 = vector.shape_cast %add3A_155 : vector<16xi32> to vector<16xi32>
      tpu.vector_store %arg4[%swap3A_160], %swap3A_163 {strides = array<i32>} : memref<16384xi32, #tpu.memory_space<vmem>>, vector<16xi32>,
      %add3A_164 = arith.constant 176 : i32
      %add3A_165 = arith.addi %mul3A_20, %add3A_164 : i32
      %add3A_166 = vector.broadcast %add3A_165 : i32 to vector<16xi32>
      %add3A_167 = arith.addi %add3A_166, %iota3A : vector<16xi32>
      %mul3A_168 = arith.constant 1024 : i32
      %mul3A_169 = arith.muli %scan3A_32, %mul3A_168 : i32
      %add3A_170 = arith.constant 176 : i32
      %add3A_171 = arith.addi %mul3A_169, %add3A_170 : i32
      %swap3A_172 = arith.index_cast %add3A_171 : i32 to index
      %swap3A_173 = tpu.vector_load %arg4[%swap3A_172] {strides = array<i32>} : memref<16384xi32, #tpu.memory_space<vmem>>, vector<16xi32>,
      %swap3A_174 = vector.shape_cast %swap3A_173 : vector<16xi32> to vector<16xi32>
      %swap3A_175 = vector.shape_cast %add3A_167 : vector<16xi32> to vector<16xi32>
      tpu.vector_store %arg4[%swap3A_172], %swap3A_175 {strides = array<i32>} : memref<16384xi32, #tpu.memory_space<vmem>>, vector<16xi32>,
      %add3A_176 = arith.constant 192 : i32
      %add3A_177 = arith.addi %mul3A_20, %add3A_176 : i32
      %add3A_178 = vector.broadcast %add3A_177 : i32 to vector<16xi32>
      %add3A_179 = arith.addi %add3A_178, %iota3A : vector<16xi32>
      %mul3A_180 = arith.constant 1024 : i32
      %mul3A_181 = arith.muli %scan3A_32, %mul3A_180 : i32
      %add3A_182 = arith.constant 192 : i32
      %add3A_183 = arith.addi %mul3A_181, %add3A_182 : i32
      %swap3A_184 = arith.index_cast %add3A_183 : i32 to index
      %swap3A_185 = tpu.vector_load %arg4[%swap3A_184] {strides = array<i32>} : memref<16384xi32, #tpu.memory_space<vmem>>, vector<16xi32>,
      %swap3A_186 = vector.shape_cast %swap3A_185 : vector<16xi32> to vector<16xi32>
      %swap3A_187 = vector.shape_cast %add3A_179 : vector<16xi32> to vector<16xi32>
      tpu.vector_store %arg4[%swap3A_184], %swap3A_187 {strides = array<i32>} : memref<16384xi32, #tpu.memory_space<vmem>>, vector<16xi32>,
      %add3A_188 = arith.constant 208 : i32
      %add3A_189 = arith.addi %mul3A_20, %add3A_188 : i32
      %add3A_190 = vector.broadcast %add3A_189 : i32 to vector<16xi32>
      %add3A_191 = arith.addi %add3A_190, %iota3A : vector<16xi32>
      %mul3A_192 = arith.constant 1024 : i32
      %mul3A_193 = arith.muli %scan3A_32, %mul3A_192 : i32
      %add3A_194 = arith.constant 208 : i32
      %add3A_195 = arith.addi %mul3A_193, %add3A_194 : i32
      %swap3A_196 = arith.index_cast %add3A_195 : i32 to index
      %swap3A_197 = tpu.vector_load %arg4[%swap3A_196] {strides = array<i32>} : memref<16384xi32, #tpu.memory_space<vmem>>, vector<16xi32>,
      %swap3A_198 = vector.shape_cast %swap3A_197 : vector<16xi32> to vector<16xi32>
      %swap3A_199 = vector.shape_cast %add3A_191 : vector<16xi32> to vector<16xi32>
      tpu.vector_store %arg4[%swap3A_196], %swap3A_199 {strides = array<i32>} : memref<16384xi32, #tpu.memory_space<vmem>>, vector<16xi32>,
      %add3A_200 = arith.constant 224 : i32
      %add3A_201 = arith.addi %mul3A_20, %add3A_200 : i32
      %add3A_202 = vector.broadcast %add3A_201 : i32 to vector<16xi32>
      %add3A_203 = arith.addi %add3A_202, %iota3A : vector<16xi32>
      %mul3A_204 = arith.constant 1024 : i32
      %mul3A_205 = arith.muli %scan3A_32, %mul3A_204 : i32
      %add3A_206 = arith.constant 224 : i32
      %add3A_207 = arith.addi %mul3A_205, %add3A_206 : i32
      %swap3A_208 = arith.index_cast %add3A_207 : i32 to index
      %swap3A_209 = tpu.vector_load %arg4[%swap3A_208] {strides = array<i32>} : memref<16384xi32, #tpu.memory_space<vmem>>, vector<16xi32>,
      %swap3A_210 = vector.shape_cast %swap3A_209 : vector<16xi32> to vector<16xi32>
      %swap3A_211 = vector.shape_cast %add3A_203 : vector<16xi32> to vector<16xi32>
      tpu.vector_store %arg4[%swap3A_208], %swap3A_211 {strides = array<i32>} : memref<16384xi32, #tpu.memory_space<vmem>>, vector<16xi32>,
      %add3A_212 = arith.constant 240 : i32
      %add3A_213 = arith.addi %mul3A_20, %add3A_212 : i32
      %add3A_214 = vector.broadcast %add3A_213 : i32 to vector<16xi32>
      %add3A_215 = arith.addi %add3A_214, %iota3A : vector<16xi32>
      %mul3A_216 = arith.constant 1024 : i32
      %mul3A_217 = arith.muli %scan3A_32, %mul3A_216 : i32
      %add3A_218 = arith.constant 240 : i32
      %add3A_219 = arith.addi %mul3A_217, %add3A_218 : i32
      %swap3A_220 = arith.index_cast %add3A_219 : i32 to index
      %swap3A_221 = tpu.vector_load %arg4[%swap3A_220] {strides = array<i32>} : memref<16384xi32, #tpu.memory_space<vmem>>, vector<16xi32>,
      %swap3A_222 = vector.shape_cast %swap3A_221 : vector<16xi32> to vector<16xi32>
      %swap3A_223 = vector.shape_cast %add3A_215 : vector<16xi32> to vector<16xi32>
      tpu.vector_store %arg4[%swap3A_220], %swap3A_223 {strides = array<i32>} : memref<16384xi32, #tpu.memory_space<vmem>>, vector<16xi32>,
      %add3A_224 = arith.constant 256 : i32
      %add3A_225 = arith.addi %mul3A_20, %add3A_224 : i32
      %add3A_226 = vector.broadcast %add3A_225 : i32 to vector<16xi32>
      %add3A_227 = arith.addi %add3A_226, %iota3A : vector<16xi32>
      %mul3A_228 = arith.constant 1024 : i32
      %mul3A_229 = arith.muli %scan3A_32, %mul3A_228 : i32
      %add3A_230 = arith.constant 256 : i32
      %add3A_231 = arith.addi %mul3A_229, %add3A_230 : i32
      %swap3A_232 = arith.index_cast %add3A_231 : i32 to index
      %swap3A_233 = tpu.vector_load %arg4[%swap3A_232] {strides = array<i32>} : memref<16384xi32, #tpu.memory_space<vmem>>, vector<16xi32>,
      %swap3A_234 = vector.shape_cast %swap3A_233 : vector<16xi32> to vector<16xi32>
      %swap3A_235 = vector.shape_cast %add3A_227 : vector<16xi32> to vector<16xi32>
      tpu.vector_store %arg4[%swap3A_232], %swap3A_235 {strides = array<i32>} : memref<16384xi32, #tpu.memory_space<vmem>>, vector<16xi32>,
      %add3A_236 = arith.constant 272 : i32
      %add3A_237 = arith.addi %mul3A_20, %add3A_236 : i32
      %add3A_238 = vector.broadcast %add3A_237 : i32 to vector<16xi32>
      %add3A_239 = arith.addi %add3A_238, %iota3A : vector<16xi32>
      %mul3A_240 = arith.constant 1024 : i32
      %mul3A_241 = arith.muli %scan3A_32, %mul3A_240 : i32
      %add3A_242 = arith.constant 272 : i32
      %add3A_243 = arith.addi %mul3A_241, %add3A_242 : i32
      %swap3A_244 = arith.index_cast %add3A_243 : i32 to index
      %swap3A_245 = tpu.vector_load %arg4[%swap3A_244] {strides = array<i32>} : memref<16384xi32, #tpu.memory_space<vmem>>, vector<16xi32>,
      %swap3A_246 = vector.shape_cast %swap3A_245 : vector<16xi32> to vector<16xi32>
      %swap3A_247 = vector.shape_cast %add3A_239 : vector<16xi32> to vector<16xi32>
      tpu.vector_store %arg4[%swap3A_244], %swap3A_247 {strides = array<i32>} : memref<16384xi32, #tpu.memory_space<vmem>>, vector<16xi32>,
      %add3A_248 = arith.constant 288 : i32
      %add3A_249 = arith.addi %mul3A_20, %add3A_248 : i32
      %add3A_250 = vector.broadcast %add3A_249 : i32 to vector<16xi32>
      %add3A_251 = arith.addi %add3A_250, %iota3A : vector<16xi32>
      %mul3A_252 = arith.constant 1024 : i32
      %mul3A_253 = arith.muli %scan3A_32, %mul3A_252 : i32
      %add3A_254 = arith.constant 288 : i32
      %add3A_255 = arith.addi %mul3A_253, %add3A_254 : i32
      %swap3A_256 = arith.index_cast %add3A_255 : i32 to index
      %swap3A_257 = tpu.vector_load %arg4[%swap3A_256] {strides = array<i32>} : memref<16384xi32, #tpu.memory_space<vmem>>, vector<16xi32>,
      %swap3A_258 = vector.shape_cast %swap3A_257 : vector<16xi32> to vector<16xi32>
      %swap3A_259 = vector.shape_cast %add3A_251 : vector<16xi32> to vector<16xi32>
      tpu.vector_store %arg4[%swap3A_256], %swap3A_259 {strides = array<i32>} : memref<16384xi32, #tpu.memory_space<vmem>>, vector<16xi32>,
      %add3A_260 = arith.constant 304 : i32
      %add3A_261 = arith.addi %mul3A_20, %add3A_260 : i32
      %add3A_262 = vector.broadcast %add3A_261 : i32 to vector<16xi32>
      %add3A_263 = arith.addi %add3A_262, %iota3A : vector<16xi32>
      %mul3A_264 = arith.constant 1024 : i32
      %mul3A_265 = arith.muli %scan3A_32, %mul3A_264 : i32
      %add3A_266 = arith.constant 304 : i32
      %add3A_267 = arith.addi %mul3A_265, %add3A_266 : i32
      %swap3A_268 = arith.index_cast %add3A_267 : i32 to index
      %swap3A_269 = tpu.vector_load %arg4[%swap3A_268] {strides = array<i32>} : memref<16384xi32, #tpu.memory_space<vmem>>, vector<16xi32>,
      %swap3A_270 = vector.shape_cast %swap3A_269 : vector<16xi32> to vector<16xi32>
      %swap3A_271 = vector.shape_cast %add3A_263 : vector<16xi32> to vector<16xi32>
      tpu.vector_store %arg4[%swap3A_268], %swap3A_271 {strides = array<i32>} : memref<16384xi32, #tpu.memory_space<vmem>>, vector<16xi32>,
      %add3A_272 = arith.constant 320 : i32
      %add3A_273 = arith.addi %mul3A_20, %add3A_272 : i32
      %add3A_274 = vector.broadcast %add3A_273 : i32 to vector<16xi32>
      %add3A_275 = arith.addi %add3A_274, %iota3A : vector<16xi32>
      %mul3A_276 = arith.constant 1024 : i32
      %mul3A_277 = arith.muli %scan3A_32, %mul3A_276 : i32
      %add3A_278 = arith.constant 320 : i32
      %add3A_279 = arith.addi %mul3A_277, %add3A_278 : i32
      %swap3A_280 = arith.index_cast %add3A_279 : i32 to index
      %swap3A_281 = tpu.vector_load %arg4[%swap3A_280] {strides = array<i32>} : memref<16384xi32, #tpu.memory_space<vmem>>, vector<16xi32>,
      %swap3A_282 = vector.shape_cast %swap3A_281 : vector<16xi32> to vector<16xi32>
      %swap3A_283 = vector.shape_cast %add3A_275 : vector<16xi32> to vector<16xi32>
      tpu.vector_store %arg4[%swap3A_280], %swap3A_283 {strides = array<i32>} : memref<16384xi32, #tpu.memory_space<vmem>>, vector<16xi32>,
      %add3A_284 = arith.constant 336 : i32
      %add3A_285 = arith.addi %mul3A_20, %add3A_284 : i32
      %add3A_286 = vector.broadcast %add3A_285 : i32 to vector<16xi32>
      %add3A_287 = arith.addi %add3A_286, %iota3A : vector<16xi32>
      %mul3A_288 = arith.constant 1024 : i32
      %mul3A_289 = arith.muli %scan3A_32, %mul3A_288 : i32
      %add3A_290 = arith.constant 336 : i32
      %add3A_291 = arith.addi %mul3A_289, %add3A_290 : i32
      %swap3A_292 = arith.index_cast %add3A_291 : i32 to index
      %swap3A_293 = tpu.vector_load %arg4[%swap3A_292] {strides = array<i32>} : memref<16384xi32, #tpu.memory_space<vmem>>, vector<16xi32>,
      %swap3A_294 = vector.shape_cast %swap3A_293 : vector<16xi32> to vector<16xi32>
      %swap3A_295 = vector.shape_cast %add3A_287 : vector<16xi32> to vector<16xi32>
      tpu.vector_store %arg4[%swap3A_292], %swap3A_295 {strides = array<i32>} : memref<16384xi32, #tpu.memory_space<vmem>>, vector<16xi32>,
      %add3A_296 = arith.constant 352 : i32
      %add3A_297 = arith.addi %mul3A_20, %add3A_296 : i32
      %add3A_298 = vector.broadcast %add3A_297 : i32 to vector<16xi32>
      %add3A_299 = arith.addi %add3A_298, %iota3A : vector<16xi32>
      %mul3A_300 = arith.constant 1024 : i32
      %mul3A_301 = arith.muli %scan3A_32, %mul3A_300 : i32
      %add3A_302 = arith.constant 352 : i32
      %add3A_303 = arith.addi %mul3A_301, %add3A_302 : i32
      %swap3A_304 = arith.index_cast %add3A_303 : i32 to index
      %swap3A_305 = tpu.vector_load %arg4[%swap3A_304] {strides = array<i32>} : memref<16384xi32, #tpu.memory_space<vmem>>, vector<16xi32>,
      %swap3A_306 = vector.shape_cast %swap3A_305 : vector<16xi32> to vector<16xi32>
      %swap3A_307 = vector.shape_cast %add3A_299 : vector<16xi32> to vector<16xi32>
      tpu.vector_store %arg4[%swap3A_304], %swap3A_307 {strides = array<i32>} : memref<16384xi32, #tpu.memory_space<vmem>>, vector<16xi32>,
      %add3A_308 = arith.constant 368 : i32
      %add3A_309 = arith.addi %mul3A_20, %add3A_308 : i32
      %add3A_310 = vector.broadcast %add3A_309 : i32 to vector<16xi32>
      %add3A_311 = arith.addi %add3A_310, %iota3A : vector<16xi32>
      %mul3A_312 = arith.constant 1024 : i32
      %mul3A_313 = arith.muli %scan3A_32, %mul3A_312 : i32
      %add3A_314 = arith.constant 368 : i32
      %add3A_315 = arith.addi %mul3A_313, %add3A_314 : i32
      %swap3A_316 = arith.index_cast %add3A_315 : i32 to index
      %swap3A_317 = tpu.vector_load %arg4[%swap3A_316] {strides = array<i32>} : memref<16384xi32, #tpu.memory_space<vmem>>, vector<16xi32>,
      %swap3A_318 = vector.shape_cast %swap3A_317 : vector<16xi32> to vector<16xi32>
      %swap3A_319 = vector.shape_cast %add3A_311 : vector<16xi32> to vector<16xi32>
      tpu.vector_store %arg4[%swap3A_316], %swap3A_319 {strides = array<i32>} : memref<16384xi32, #tpu.memory_space<vmem>>, vector<16xi32>,
      %add3A_320 = arith.constant 384 : i32
      %add3A_321 = arith.addi %mul3A_20, %add3A_320 : i32
      %add3A_322 = vector.broadcast %add3A_321 : i32 to vector<16xi32>
      %add3A_323 = arith.addi %add3A_322, %iota3A : vector<16xi32>
      %mul3A_324 = arith.constant 1024 : i32
      %mul3A_325 = arith.muli %scan3A_32, %mul3A_324 : i32
      %add3A_326 = arith.constant 384 : i32
      %add3A_327 = arith.addi %mul3A_325, %add3A_326 : i32
      %swap3A_328 = arith.index_cast %add3A_327 : i32 to index
      %swap3A_329 = tpu.vector_load %arg4[%swap3A_328] {strides = array<i32>} : memref<16384xi32, #tpu.memory_space<vmem>>, vector<16xi32>,
      %swap3A_330 = vector.shape_cast %swap3A_329 : vector<16xi32> to vector<16xi32>
      %swap3A_331 = vector.shape_cast %add3A_323 : vector<16xi32> to vector<16xi32>
      tpu.vector_store %arg4[%swap3A_328], %swap3A_331 {strides = array<i32>} : memref<16384xi32, #tpu.memory_space<vmem>>, vector<16xi32>,
      %add3A_332 = arith.constant 400 : i32
      %add3A_333 = arith.addi %mul3A_20, %add3A_332 : i32
      %add3A_334 = vector.broadcast %add3A_333 : i32 to vector<16xi32>
      %add3A_335 = arith.addi %add3A_334, %iota3A : vector<16xi32>
      %mul3A_336 = arith.constant 1024 : i32
      %mul3A_337 = arith.muli %scan3A_32, %mul3A_336 : i32
      %add3A_338 = arith.constant 400 : i32
      %add3A_339 = arith.addi %mul3A_337, %add3A_338 : i32
      %swap3A_340 = arith.index_cast %add3A_339 : i32 to index
      %swap3A_341 = tpu.vector_load %arg4[%swap3A_340] {strides = array<i32>} : memref<16384xi32, #tpu.memory_space<vmem>>, vector<16xi32>,
      %swap3A_342 = vector.shape_cast %swap3A_341 : vector<16xi32> to vector<16xi32>
      %swap3A_343 = vector.shape_cast %add3A_335 : vector<16xi32> to vector<16xi32>
      tpu.vector_store %arg4[%swap3A_340], %swap3A_343 {strides = array<i32>} : memref<16384xi32, #tpu.memory_space<vmem>>, vector<16xi32>,
      %add3A_344 = arith.constant 416 : i32
      %add3A_345 = arith.addi %mul3A_20, %add3A_344 : i32
      %add3A_346 = vector.broadcast %add3A_345 : i32 to vector<16xi32>
      %add3A_347 = arith.addi %add3A_346, %iota3A : vector<16xi32>
      %mul3A_348 = arith.constant 1024 : i32
      %mul3A_349 = arith.muli %scan3A_32, %mul3A_348 : i32
      %add3A_350 = arith.constant 416 : i32
      %add3A_351 = arith.addi %mul3A_349, %add3A_350 : i32
      %swap3A_352 = arith.index_cast %add3A_351 : i32 to index
      %swap3A_353 = tpu.vector_load %arg4[%swap3A_352] {strides = array<i32>} : memref<16384xi32, #tpu.memory_space<vmem>>, vector<16xi32>,
      %swap3A_354 = vector.shape_cast %swap3A_353 : vector<16xi32> to vector<16xi32>
      %swap3A_355 = vector.shape_cast %add3A_347 : vector<16xi32> to vector<16xi32>
      tpu.vector_store %arg4[%swap3A_352], %swap3A_355 {strides = array<i32>} : memref<16384xi32, #tpu.memory_space<vmem>>, vector<16xi32>,
      %add3A_356 = arith.constant 432 : i32
      %add3A_357 = arith.addi %mul3A_20, %add3A_356 : i32
      %add3A_358 = vector.broadcast %add3A_357 : i32 to vector<16xi32>
      %add3A_359 = arith.addi %add3A_358, %iota3A : vector<16xi32>
      %mul3A_360 = arith.constant 1024 : i32
      %mul3A_361 = arith.muli %scan3A_32, %mul3A_360 : i32
      %add3A_362 = arith.constant 432 : i32
      %add3A_363 = arith.addi %mul3A_361, %add3A_362 : i32
      %swap3A_364 = arith.index_cast %add3A_363 : i32 to index
      %swap3A_365 = tpu.vector_load %arg4[%swap3A_364] {strides = array<i32>} : memref<16384xi32, #tpu.memory_space<vmem>>, vector<16xi32>,
      %swap3A_366 = vector.shape_cast %swap3A_365 : vector<16xi32> to vector<16xi32>
      %swap3A_367 = vector.shape_cast %add3A_359 : vector<16xi32> to vector<16xi32>
      tpu.vector_store %arg4[%swap3A_364], %swap3A_367 {strides = array<i32>} : memref<16384xi32, #tpu.memory_space<vmem>>, vector<16xi32>,
      %add3A_368 = arith.constant 448 : i32
      %add3A_369 = arith.addi %mul3A_20, %add3A_368 : i32
      %add3A_370 = vector.broadcast %add3A_369 : i32 to vector<16xi32>
      %add3A_371 = arith.addi %add3A_370, %iota3A : vector<16xi32>
      %mul3A_372 = arith.constant 1024 : i32
      %mul3A_373 = arith.muli %scan3A_32, %mul3A_372 : i32
      %add3A_374 = arith.constant 448 : i32
      %add3A_375 = arith.addi %mul3A_373, %add3A_374 : i32
      %swap3A_376 = arith.index_cast %add3A_375 : i32 to index
      %swap3A_377 = tpu.vector_load %arg4[%swap3A_376] {strides = array<i32>} : memref<16384xi32, #tpu.memory_space<vmem>>, vector<16xi32>,
      %swap3A_378 = vector.shape_cast %swap3A_377 : vector<16xi32> to vector<16xi32>
      %swap3A_379 = vector.shape_cast %add3A_371 : vector<16xi32> to vector<16xi32>
      tpu.vector_store %arg4[%swap3A_376], %swap3A_379 {strides = array<i32>} : memref<16384xi32, #tpu.memory_space<vmem>>, vector<16xi32>,
      %add3A_380 = arith.constant 464 : i32
      %add3A_381 = arith.addi %mul3A_20, %add3A_380 : i32
      %add3A_382 = vector.broadcast %add3A_381 : i32 to vector<16xi32>
      %add3A_383 = arith.addi %add3A_382, %iota3A : vector<16xi32>
      %mul3A_384 = arith.constant 1024 : i32
      %mul3A_385 = arith.muli %scan3A_32, %mul3A_384 : i32
      %add3A_386 = arith.constant 464 : i32
      %add3A_387 = arith.addi %mul3A_385, %add3A_386 : i32
      %swap3A_388 = arith.index_cast %add3A_387 : i32 to index
      %swap3A_389 = tpu.vector_load %arg4[%swap3A_388] {strides = array<i32>} : memref<16384xi32, #tpu.memory_space<vmem>>, vector<16xi32>,
      %swap3A_390 = vector.shape_cast %swap3A_389 : vector<16xi32> to vector<16xi32>
      %swap3A_391 = vector.shape_cast %add3A_383 : vector<16xi32> to vector<16xi32>
      tpu.vector_store %arg4[%swap3A_388], %swap3A_391 {strides = array<i32>} : memref<16384xi32, #tpu.memory_space<vmem>>, vector<16xi32>,
      %add3A_392 = arith.constant 480 : i32
      %add3A_393 = arith.addi %mul3A_20, %add3A_392 : i32
      %add3A_394 = vector.broadcast %add3A_393 : i32 to vector<16xi32>
      %add3A_395 = arith.addi %add3A_394, %iota3A : vector<16xi32>
      %mul3A_396 = arith.constant 1024 : i32
      %mul3A_397 = arith.muli %scan3A_32, %mul3A_396 : i32
      %add3A_398 = arith.constant 480 : i32
      %add3A_399 = arith.addi %mul3A_397, %add3A_398 : i32
      %swap3A_400 = arith.index_cast %add3A_399 : i32 to index
      %swap3A_401 = tpu.vector_load %arg4[%swap3A_400] {strides = array<i32>} : memref<16384xi32, #tpu.memory_space<vmem>>, vector<16xi32>,
      %swap3A_402 = vector.shape_cast %swap3A_401 : vector<16xi32> to vector<16xi32>
      %swap3A_403 = vector.shape_cast %add3A_395 : vector<16xi32> to vector<16xi32>
      tpu.vector_store %arg4[%swap3A_400], %swap3A_403 {strides = array<i32>} : memref<16384xi32, #tpu.memory_space<vmem>>, vector<16xi32>,
      %add3A_404 = arith.constant 496 : i32
      %add3A_405 = arith.addi %mul3A_20, %add3A_404 : i32
      %add3A_406 = vector.broadcast %add3A_405 : i32 to vector<16xi32>
      %add3A_407 = arith.addi %add3A_406, %iota3A : vector<16xi32>
      %mul3A_408 = arith.constant 1024 : i32
      %mul3A_409 = arith.muli %scan3A_32, %mul3A_408 : i32
      %add3A_410 = arith.constant 496 : i32
      %add3A_411 = arith.addi %mul3A_409, %add3A_410 : i32
      %swap3A_412 = arith.index_cast %add3A_411 : i32 to index
      %swap3A_413 = tpu.vector_load %arg4[%swap3A_412] {strides = array<i32>} : memref<16384xi32, #tpu.memory_space<vmem>>, vector<16xi32>,
      %swap3A_414 = vector.shape_cast %swap3A_413 : vector<16xi32> to vector<16xi32>
      %swap3A_415 = vector.shape_cast %add3A_407 : vector<16xi32> to vector<16xi32>
      tpu.vector_store %arg4[%swap3A_412], %swap3A_415 {strides = array<i32>} : memref<16384xi32, #tpu.memory_space<vmem>>, vector<16xi32>,
      %add3A_416 = arith.constant 512 : i32
      %add3A_417 = arith.addi %mul3A_20, %add3A_416 : i32
      %add3A_418 = vector.broadcast %add3A_417 : i32 to vector<16xi32>
      %add3A_419 = arith.addi %add3A_418, %iota3A : vector<16xi32>
      %mul3A_420 = arith.constant 1024 : i32
      %mul3A_421 = arith.muli %scan3A_32, %mul3A_420 : i32
      %add3A_422 = arith.constant 512 : i32
      %add3A_423 = arith.addi %mul3A_421, %add3A_422 : i32
      %swap3A_424 = arith.index_cast %add3A_423 : i32 to index
      %swap3A_425 = tpu.vector_load %arg4[%swap3A_424] {strides = array<i32>} : memref<16384xi32, #tpu.memory_space<vmem>>, vector<16xi32>,
      %swap3A_426 = vector.shape_cast %swap3A_425 : vector<16xi32> to vector<16xi32>
      %swap3A_427 = vector.shape_cast %add3A_419 : vector<16xi32> to vector<16xi32>
      tpu.vector_store %arg4[%swap3A_424], %swap3A_427 {strides = array<i32>} : memref<16384xi32, #tpu.memory_space<vmem>>, vector<16xi32>,
      %add3A_428 = arith.constant 528 : i32
      %add3A_429 = arith.addi %mul3A_20, %add3A_428 : i32
      %add3A_430 = vector.broadcast %add3A_429 : i32 to vector<16xi32>
      %add3A_431 = arith.addi %add3A_430, %iota3A : vector<16xi32>
      %mul3A_432 = arith.constant 1024 : i32
      %mul3A_433 = arith.muli %scan3A_32, %mul3A_432 : i32
      %add3A_434 = arith.constant 528 : i32
      %add3A_435 = arith.addi %mul3A_433, %add3A_434 : i32
      %swap3A_436 = arith.index_cast %add3A_435 : i32 to index
      %swap3A_437 = tpu.vector_load %arg4[%swap3A_436] {strides = array<i32>} : memref<16384xi32, #tpu.memory_space<vmem>>, vector<16xi32>,
      %swap3A_438 = vector.shape_cast %swap3A_437 : vector<16xi32> to vector<16xi32>
      %swap3A_439 = vector.shape_cast %add3A_431 : vector<16xi32> to vector<16xi32>
      tpu.vector_store %arg4[%swap3A_436], %swap3A_439 {strides = array<i32>} : memref<16384xi32, #tpu.memory_space<vmem>>, vector<16xi32>,
      %add3A_440 = arith.constant 544 : i32
      %add3A_441 = arith.addi %mul3A_20, %add3A_440 : i32
      %add3A_442 = vector.broadcast %add3A_441 : i32 to vector<16xi32>
      %add3A_443 = arith.addi %add3A_442, %iota3A : vector<16xi32>
      %mul3A_444 = arith.constant 1024 : i32
      %mul3A_445 = arith.muli %scan3A_32, %mul3A_444 : i32
      %add3A_446 = arith.constant 544 : i32
      %add3A_447 = arith.addi %mul3A_445, %add3A_446 : i32
      %swap3A_448 = arith.index_cast %add3A_447 : i32 to index
      %swap3A_449 = tpu.vector_load %arg4[%swap3A_448] {strides = array<i32>} : memref<16384xi32, #tpu.memory_space<vmem>>, vector<16xi32>,
      %swap3A_450 = vector.shape_cast %swap3A_449 : vector<16xi32> to vector<16xi32>
      %swap3A_451 = vector.shape_cast %add3A_443 : vector<16xi32> to vector<16xi32>
      tpu.vector_store %arg4[%swap3A_448], %swap3A_451 {strides = array<i32>} : memref<16384xi32, #tpu.memory_space<vmem>>, vector<16xi32>,
      %add3A_452 = arith.constant 560 : i32
      %add3A_453 = arith.addi %mul3A_20, %add3A_452 : i32
      %add3A_454 = vector.broadcast %add3A_453 : i32 to vector<16xi32>
      %add3A_455 = arith.addi %add3A_454, %iota3A : vector<16xi32>
      %mul3A_456 = arith.constant 1024 : i32
      %mul3A_457 = arith.muli %scan3A_32, %mul3A_456 : i32
      %add3A_458 = arith.constant 560 : i32
      %add3A_459 = arith.addi %mul3A_457, %add3A_458 : i32
      %swap3A_460 = arith.index_cast %add3A_459 : i32 to index
      %swap3A_461 = tpu.vector_load %arg4[%swap3A_460] {strides = array<i32>} : memref<16384xi32, #tpu.memory_space<vmem>>, vector<16xi32>,
      %swap3A_462 = vector.shape_cast %swap3A_461 : vector<16xi32> to vector<16xi32>
      %swap3A_463 = vector.shape_cast %add3A_455 : vector<16xi32> to vector<16xi32>
      tpu.vector_store %arg4[%swap3A_460], %swap3A_463 {strides = array<i32>} : memref<16384xi32, #tpu.memory_space<vmem>>, vector<16xi32>,
      %add3A_464 = arith.constant 576 : i32
      %add3A_465 = arith.addi %mul3A_20, %add3A_464 : i32
      %add3A_466 = vector.broadcast %add3A_465 : i32 to vector<16xi32>
      %add3A_467 = arith.addi %add3A_466, %iota3A : vector<16xi32>
      %mul3A_468 = arith.constant 1024 : i32
      %mul3A_469 = arith.muli %scan3A_32, %mul3A_468 : i32
      %add3A_470 = arith.constant 576 : i32
      %add3A_471 = arith.addi %mul3A_469, %add3A_470 : i32
      %swap3A_472 = arith.index_cast %add3A_471 : i32 to index
      %swap3A_473 = tpu.vector_load %arg4[%swap3A_472] {strides = array<i32>} : memref<16384xi32, #tpu.memory_space<vmem>>, vector<16xi32>,
      %swap3A_474 = vector.shape_cast %swap3A_473 : vector<16xi32> to vector<16xi32>
      %swap3A_475 = vector.shape_cast %add3A_467 : vector<16xi32> to vector<16xi32>
      tpu.vector_store %arg4[%swap3A_472], %swap3A_475 {strides = array<i32>} : memref<16384xi32, #tpu.memory_space<vmem>>, vector<16xi32>,
      %add3A_476 = arith.constant 592 : i32
      %add3A_477 = arith.addi %mul3A_20, %add3A_476 : i32
      %add3A_478 = vector.broadcast %add3A_477 : i32 to vector<16xi32>
      %add3A_479 = arith.addi %add3A_478, %iota3A : vector<16xi32>
      %mul3A_480 = arith.constant 1024 : i32
      %mul3A_481 = arith.muli %scan3A_32, %mul3A_480 : i32
      %add3A_482 = arith.constant 592 : i32
      %add3A_483 = arith.addi %mul3A_481, %add3A_482 : i32
      %swap3A_484 = arith.index_cast %add3A_483 : i32 to index
      %swap3A_485 = tpu.vector_load %arg4[%swap3A_484] {strides = array<i32>} : memref<16384xi32, #tpu.memory_space<vmem>>, vector<16xi32>,
      %swap3A_486 = vector.shape_cast %swap3A_485 : vector<16xi32> to vector<16xi32>
      %swap3A_487 = vector.shape_cast %add3A_479 : vector<16xi32> to vector<16xi32>
      tpu.vector_store %arg4[%swap3A_484], %swap3A_487 {strides = array<i32>} : memref<16384xi32, #tpu.memory_space<vmem>>, vector<16xi32>,
      %add3A_488 = arith.constant 608 : i32
      %add3A_489 = arith.addi %mul3A_20, %add3A_488 : i32
      %add3A_490 = vector.broadcast %add3A_489 : i32 to vector<16xi32>
      %add3A_491 = arith.addi %add3A_490, %iota3A : vector<16xi32>
      %mul3A_492 = arith.constant 1024 : i32
      %mul3A_493 = arith.muli %scan3A_32, %mul3A_492 : i32
      %add3A_494 = arith.constant 608 : i32
      %add3A_495 = arith.addi %mul3A_493, %add3A_494 : i32
      %swap3A_496 = arith.index_cast %add3A_495 : i32 to index
      %swap3A_497 = tpu.vector_load %arg4[%swap3A_496] {strides = array<i32>} : memref<16384xi32, #tpu.memory_space<vmem>>, vector<16xi32>,
      %swap3A_498 = vector.shape_cast %swap3A_497 : vector<16xi32> to vector<16xi32>
      %swap3A_499 = vector.shape_cast %add3A_491 : vector<16xi32> to vector<16xi32>
      tpu.vector_store %arg4[%swap3A_496], %swap3A_499 {strides = array<i32>} : memref<16384xi32, #tpu.memory_space<vmem>>, vector<16xi32>,
      %add3A_500 = arith.constant 624 : i32
      %add3A_501 = arith.addi %mul3A_20, %add3A_500 : i32
      %add3A_502 = vector.broadcast %add3A_501 : i32 to vector<16xi32>
      %add3A_503 = arith.addi %add3A_502, %iota3A : vector<16xi32>
      %mul3A_504 = arith.constant 1024 : i32
      %mul3A_505 = arith.muli %scan3A_32, %mul3A_504 : i32
      %add3A_506 = arith.constant 624 : i32
      %add3A_507 = arith.addi %mul3A_505, %add3A_506 : i32
      %swap3A_508 = arith.index_cast %add3A_507 : i32 to index
      %swap3A_509 = tpu.vector_load %arg4[%swap3A_508] {strides = array<i32>} : memref<16384xi32, #tpu.memory_space<vmem>>, vector<16xi32>,
      %swap3A_510 = vector.shape_cast %swap3A_509 : vector<16xi32> to vector<16xi32>
      %swap3A_511 = vector.shape_cast %add3A_503 : vector<16xi32> to vector<16xi32>
      tpu.vector_store %arg4[%swap3A_508], %swap3A_511 {strides = array<i32>} : memref<16384xi32, #tpu.memory_space<vmem>>, vector<16xi32>,
      %add3A_512 = arith.constant 640 : i32
      %add3A_513 = arith.addi %mul3A_20, %add3A_512 : i32
      %add3A_514 = vector.broadcast %add3A_513 : i32 to vector<16xi32>
      %add3A_515 = arith.addi %add3A_514, %iota3A : vector<16xi32>
      %mul3A_516 = arith.constant 1024 : i32
      %mul3A_517 = arith.muli %scan3A_32, %mul3A_516 : i32
      %add3A_518 = arith.constant 640 : i32
      %add3A_519 = arith.addi %mul3A_517, %add3A_518 : i32
      %swap3A_520 = arith.index_cast %add3A_519 : i32 to index
      %swap3A_521 = tpu.vector_load %arg4[%swap3A_520] {strides = array<i32>} : memref<16384xi32, #tpu.memory_space<vmem>>, vector<16xi32>,
      %swap3A_522 = vector.shape_cast %swap3A_521 : vector<16xi32> to vector<16xi32>
      %swap3A_523 = vector.shape_cast %add3A_515 : vector<16xi32> to vector<16xi32>
      tpu.vector_store %arg4[%swap3A_520], %swap3A_523 {strides = array<i32>} : memref<16384xi32, #tpu.memory_space<vmem>>, vector<16xi32>,
      %add3A_524 = arith.constant 656 : i32
      %add3A_525 = arith.addi %mul3A_20, %add3A_524 : i32
      %add3A_526 = vector.broadcast %add3A_525 : i32 to vector<16xi32>
      %add3A_527 = arith.addi %add3A_526, %iota3A : vector<16xi32>
      %mul3A_528 = arith.constant 1024 : i32
      %mul3A_529 = arith.muli %scan3A_32, %mul3A_528 : i32
      %add3A_530 = arith.constant 656 : i32
      %add3A_531 = arith.addi %mul3A_529, %add3A_530 : i32
      %swap3A_532 = arith.index_cast %add3A_531 : i32 to index
      %swap3A_533 = tpu.vector_load %arg4[%swap3A_532] {strides = array<i32>} : memref<16384xi32, #tpu.memory_space<vmem>>, vector<16xi32>,
      %swap3A_534 = vector.shape_cast %swap3A_533 : vector<16xi32> to vector<16xi32>
      %swap3A_535 = vector.shape_cast %add3A_527 : vector<16xi32> to vector<16xi32>
      tpu.vector_store %arg4[%swap3A_532], %swap3A_535 {strides = array<i32>} : memref<16384xi32, #tpu.memory_space<vmem>>, vector<16xi32>,
      %add3A_536 = arith.constant 672 : i32
      %add3A_537 = arith.addi %mul3A_20, %add3A_536 : i32
      %add3A_538 = vector.broadcast %add3A_537 : i32 to vector<16xi32>
      %add3A_539 = arith.addi %add3A_538, %iota3A : vector<16xi32>
      %mul3A_540 = arith.constant 1024 : i32
      %mul3A_541 = arith.muli %scan3A_32, %mul3A_540 : i32
      %add3A_542 = arith.constant 672 : i32
      %add3A_543 = arith.addi %mul3A_541, %add3A_542 : i32
      %swap3A_544 = arith.index_cast %add3A_543 : i32 to index
      %swap3A_545 = tpu.vector_load %arg4[%swap3A_544] {strides = array<i32>} : memref<16384xi32, #tpu.memory_space<vmem>>, vector<16xi32>,
      %swap3A_546 = vector.shape_cast %swap3A_545 : vector<16xi32> to vector<16xi32>
      %swap3A_547 = vector.shape_cast %add3A_539 : vector<16xi32> to vector<16xi32>
      tpu.vector_store %arg4[%swap3A_544], %swap3A_547 {strides = array<i32>} : memref<16384xi32, #tpu.memory_space<vmem>>, vector<16xi32>,
      %add3A_548 = arith.constant 688 : i32
      %add3A_549 = arith.addi %mul3A_20, %add3A_548 : i32
      %add3A_550 = vector.broadcast %add3A_549 : i32 to vector<16xi32>
      %add3A_551 = arith.addi %add3A_550, %iota3A : vector<16xi32>
      %mul3A_552 = arith.constant 1024 : i32
      %mul3A_553 = arith.muli %scan3A_32, %mul3A_552 : i32
      %add3A_554 = arith.constant 688 : i32
      %add3A_555 = arith.addi %mul3A_553, %add3A_554 : i32
      %swap3A_556 = arith.index_cast %add3A_555 : i32 to index
      %swap3A_557 = tpu.vector_load %arg4[%swap3A_556] {strides = array<i32>} : memref<16384xi32, #tpu.memory_space<vmem>>, vector<16xi32>,
      %swap3A_558 = vector.shape_cast %swap3A_557 : vector<16xi32> to vector<16xi32>
      %swap3A_559 = vector.shape_cast %add3A_551 : vector<16xi32> to vector<16xi32>
      tpu.vector_store %arg4[%swap3A_556], %swap3A_559 {strides = array<i32>} : memref<16384xi32, #tpu.memory_space<vmem>>, vector<16xi32>,
      %add3A_560 = arith.constant 704 : i32
      %add3A_561 = arith.addi %mul3A_20, %add3A_560 : i32
      %add3A_562 = vector.broadcast %add3A_561 : i32 to vector<16xi32>
      %add3A_563 = arith.addi %add3A_562, %iota3A : vector<16xi32>
      %mul3A_564 = arith.constant 1024 : i32
      %mul3A_565 = arith.muli %scan3A_32, %mul3A_564 : i32
      %add3A_566 = arith.constant 704 : i32
      %add3A_567 = arith.addi %mul3A_565, %add3A_566 : i32
      %swap3A_568 = arith.index_cast %add3A_567 : i32 to index
      %swap3A_569 = tpu.vector_load %arg4[%swap3A_568] {strides = array<i32>} : memref<16384xi32, #tpu.memory_space<vmem>>, vector<16xi32>,
      %swap3A_570 = vector.shape_cast %swap3A_569 : vector<16xi32> to vector<16xi32>
      %swap3A_571 = vector.shape_cast %add3A_563 : vector<16xi32> to vector<16xi32>
      tpu.vector_store %arg4[%swap3A_568], %swap3A_571 {strides = array<i32>} : memref<16384xi32, #tpu.memory_space<vmem>>, vector<16xi32>,
      %add3A_572 = arith.constant 720 : i32
      %add3A_573 = arith.addi %mul3A_20, %add3A_572 : i32
      %add3A_574 = vector.broadcast %add3A_573 : i32 to vector<16xi32>
      %add3A_575 = arith.addi %add3A_574, %iota3A : vector<16xi32>
      %mul3A_576 = arith.constant 1024 : i32
      %mul3A_577 = arith.muli %scan3A_32, %mul3A_576 : i32
      %add3A_578 = arith.constant 720 : i32
      %add3A_579 = arith.addi %mul3A_577, %add3A_578 : i32
      %swap3A_580 = arith.index_cast %add3A_579 : i32 to index
      %swap3A_581 = tpu.vector_load %arg4[%swap3A_580] {strides = array<i32>} : memref<16384xi32, #tpu.memory_space<vmem>>, vector<16xi32>,
      %swap3A_582 = vector.shape_cast %swap3A_581 : vector<16xi32> to vector<16xi32>
      %swap3A_583 = vector.shape_cast %add3A_575 : vector<16xi32> to vector<16xi32>
      tpu.vector_store %arg4[%swap3A_580], %swap3A_583 {strides = array<i32>} : memref<16384xi32, #tpu.memory_space<vmem>>, vector<16xi32>,
      %add3A_584 = arith.constant 736 : i32
      %add3A_585 = arith.addi %mul3A_20, %add3A_584 : i32
      %add3A_586 = vector.broadcast %add3A_585 : i32 to vector<16xi32>
      %add3A_587 = arith.addi %add3A_586, %iota3A : vector<16xi32>
      %mul3A_588 = arith.constant 1024 : i32
      %mul3A_589 = arith.muli %scan3A_32, %mul3A_588 : i32
      %add3A_590 = arith.constant 736 : i32
      %add3A_591 = arith.addi %mul3A_589, %add3A_590 : i32
      %swap3A_592 = arith.index_cast %add3A_591 : i32 to index
      %swap3A_593 = tpu.vector_load %arg4[%swap3A_592] {strides = array<i32>} : memref<16384xi32, #tpu.memory_space<vmem>>, vector<16xi32>,
      %swap3A_594 = vector.shape_cast %swap3A_593 : vector<16xi32> to vector<16xi32>
      %swap3A_595 = vector.shape_cast %add3A_587 : vector<16xi32> to vector<16xi32>
      tpu.vector_store %arg4[%swap3A_592], %swap3A_595 {strides = array<i32>} : memref<16384xi32, #tpu.memory_space<vmem>>, vector<16xi32>,
      %add3A_596 = arith.constant 752 : i32
      %add3A_597 = arith.addi %mul3A_20, %add3A_596 : i32
      %add3A_598 = vector.broadcast %add3A_597 : i32 to vector<16xi32>
      %add3A_599 = arith.addi %add3A_598, %iota3A : vector<16xi32>
      %mul3A_600 = arith.constant 1024 : i32
      %mul3A_601 = arith.muli %scan3A_32, %mul3A_600 : i32
      %add3A_602 = arith.constant 752 : i32
      %add3A_603 = arith.addi %mul3A_601, %add3A_602 : i32
      %swap3A_604 = arith.index_cast %add3A_603 : i32 to index
      %swap3A_605 = tpu.vector_load %arg4[%swap3A_604] {strides = array<i32>} : memref<16384xi32, #tpu.memory_space<vmem>>, vector<16xi32>,
      %swap3A_606 = vector.shape_cast %swap3A_605 : vector<16xi32> to vector<16xi32>
      %swap3A_607 = vector.shape_cast %add3A_599 : vector<16xi32> to vector<16xi32>
      tpu.vector_store %arg4[%swap3A_604], %swap3A_607 {strides = array<i32>} : memref<16384xi32, #tpu.memory_space<vmem>>, vector<16xi32>,
      %add3A_608 = arith.constant 768 : i32
      %add3A_609 = arith.addi %mul3A_20, %add3A_608 : i32
      %add3A_610 = vector.broadcast %add3A_609 : i32 to vector<16xi32>
      %add3A_611 = arith.addi %add3A_610, %iota3A : vector<16xi32>
      %mul3A_612 = arith.constant 1024 : i32
      %mul3A_613 = arith.muli %scan3A_32, %mul3A_612 : i32
      %add3A_614 = arith.constant 768 : i32
      %add3A_615 = arith.addi %mul3A_613, %add3A_614 : i32
      %swap3A_616 = arith.index_cast %add3A_615 : i32 to index
      %swap3A_617 = tpu.vector_load %arg4[%swap3A_616] {strides = array<i32>} : memref<16384xi32, #tpu.memory_space<vmem>>, vector<16xi32>,
      %swap3A_618 = vector.shape_cast %swap3A_617 : vector<16xi32> to vector<16xi32>
      %swap3A_619 = vector.shape_cast %add3A_611 : vector<16xi32> to vector<16xi32>
      tpu.vector_store %arg4[%swap3A_616], %swap3A_619 {strides = array<i32>} : memref<16384xi32, #tpu.memory_space<vmem>>, vector<16xi32>,
      %add3A_620 = arith.constant 784 : i32
      %add3A_621 = arith.addi %mul3A_20, %add3A_620 : i32
      %add3A_622 = vector.broadcast %add3A_621 : i32 to vector<16xi32>
      %add3A_623 = arith.addi %add3A_622, %iota3A : vector<16xi32>
      %mul3A_624 = arith.constant 1024 : i32
      %mul3A_625 = arith.muli %scan3A_32, %mul3A_624 : i32
      %add3A_626 = arith.constant 784 : i32
      %add3A_627 = arith.addi %mul3A_625, %add3A_626 : i32
      %swap3A_628 = arith.index_cast %add3A_627 : i32 to index
      %swap3A_629 = tpu.vector_load %arg4[%swap3A_628] {strides = array<i32>} : memref<16384xi32, #tpu.memory_space<vmem>>, vector<16xi32>,
      %swap3A_630 = vector.shape_cast %swap3A_629 : vector<16xi32> to vector<16xi32>
      %swap3A_631 = vector.shape_cast %add3A_623 : vector<16xi32> to vector<16xi32>
      tpu.vector_store %arg4[%swap3A_628], %swap3A_631 {strides = array<i32>} : memref<16384xi32, #tpu.memory_space<vmem>>, vector<16xi32>,
      %add3A_632 = arith.constant 800 : i32
      %add3A_633 = arith.addi %mul3A_20, %add3A_632 : i32
      %add3A_634 = vector.broadcast %add3A_633 : i32 to vector<16xi32>
      %add3A_635 = arith.addi %add3A_634, %iota3A : vector<16xi32>
      %mul3A_636 = arith.constant 1024 : i32
      %mul3A_637 = arith.muli %scan3A_32, %mul3A_636 : i32
      %add3A_638 = arith.constant 800 : i32
      %add3A_639 = arith.addi %mul3A_637, %add3A_638 : i32
      %swap3A_640 = arith.index_cast %add3A_639 : i32 to index
      %swap3A_641 = tpu.vector_load %arg4[%swap3A_640] {strides = array<i32>} : memref<16384xi32, #tpu.memory_space<vmem>>, vector<16xi32>,
      %swap3A_642 = vector.shape_cast %swap3A_641 : vector<16xi32> to vector<16xi32>
      %swap3A_643 = vector.shape_cast %add3A_635 : vector<16xi32> to vector<16xi32>
      tpu.vector_store %arg4[%swap3A_640], %swap3A_643 {strides = array<i32>} : memref<16384xi32, #tpu.memory_space<vmem>>, vector<16xi32>,
      %add3A_644 = arith.constant 816 : i32
      %add3A_645 = arith.addi %mul3A_20, %add3A_644 : i32
      %add3A_646 = vector.broadcast %add3A_645 : i32 to vector<16xi32>
      %add3A_647 = arith.addi %add3A_646, %iota3A : vector<16xi32>
      %mul3A_648 = arith.constant 1024 : i32
      %mul3A_649 = arith.muli %scan3A_32, %mul3A_648 : i32
      %add3A_650 = arith.constant 816 : i32
      %add3A_651 = arith.addi %mul3A_649, %add3A_650 : i32
      %swap3A_652 = arith.index_cast %add3A_651 : i32 to index
      %swap3A_653 = tpu.vector_load %arg4[%swap3A_652] {strides = array<i32>} : memref<16384xi32, #tpu.memory_space<vmem>>, vector<16xi32>,
      %swap3A_654 = vector.shape_cast %swap3A_653 : vector<16xi32> to vector<16xi32>
      %swap3A_655 = vector.shape_cast %add3A_647 : vector<16xi32> to vector<16xi32>
      tpu.vector_store %arg4[%swap3A_652], %swap3A_655 {strides = array<i32>} : memref<16384xi32, #tpu.memory_space<vmem>>, vector<16xi32>,
      %add3A_656 = arith.constant 832 : i32
      %add3A_657 = arith.addi %mul3A_20, %add3A_656 : i32
      %add3A_658 = vector.broadcast %add3A_657 : i32 to vector<16xi32>
      %add3A_659 = arith.addi %add3A_658, %iota3A : vector<16xi32>
      %mul3A_660 = arith.constant 1024 : i32
      %mul3A_661 = arith.muli %scan3A_32, %mul3A_660 : i32
      %add3A_662 = arith.constant 832 : i32
      %add3A_663 = arith.addi %mul3A_661, %add3A_662 : i32
      %swap3A_664 = arith.index_cast %add3A_663 : i32 to index
      %swap3A_665 = tpu.vector_load %arg4[%swap3A_664] {strides = array<i32>} : memref<16384xi32, #tpu.memory_space<vmem>>, vector<16xi32>,
      %swap3A_666 = vector.shape_cast %swap3A_665 : vector<16xi32> to vector<16xi32>
      %swap3A_667 = vector.shape_cast %add3A_659 : vector<16xi32> to vector<16xi32>
      tpu.vector_store %arg4[%swap3A_664], %swap3A_667 {strides = array<i32>} : memref<16384xi32, #tpu.memory_space<vmem>>, vector<16xi32>,
      %add3A_668 = arith.constant 848 : i32
      %add3A_669 = arith.addi %mul3A_20, %add3A_668 : i32
      %add3A_670 = vector.broadcast %add3A_669 : i32 to vector<16xi32>
      %add3A_671 = arith.addi %add3A_670, %iota3A : vector<16xi32>
      %mul3A_672 = arith.constant 1024 : i32
      %mul3A_673 = arith.muli %scan3A_32, %mul3A_672 : i32
      %add3A_674 = arith.constant 848 : i32
      %add3A_675 = arith.addi %mul3A_673, %add3A_674 : i32
      %swap3A_676 = arith.index_cast %add3A_675 : i32 to index
      %swap3A_677 = tpu.vector_load %arg4[%swap3A_676] {strides = array<i32>} : memref<16384xi32, #tpu.memory_space<vmem>>, vector<16xi32>,
      %swap3A_678 = vector.shape_cast %swap3A_677 : vector<16xi32> to vector<16xi32>
      %swap3A_679 = vector.shape_cast %add3A_671 : vector<16xi32> to vector<16xi32>
      tpu.vector_store %arg4[%swap3A_676], %swap3A_679 {strides = array<i32>} : memref<16384xi32, #tpu.memory_space<vmem>>, vector<16xi32>,
      %add3A_680 = arith.constant 864 : i32
      %add3A_681 = arith.addi %mul3A_20, %add3A_680 : i32
      %add3A_682 = vector.broadcast %add3A_681 : i32 to vector<16xi32>
      %add3A_683 = arith.addi %add3A_682, %iota3A : vector<16xi32>
      %mul3A_684 = arith.constant 1024 : i32
      %mul3A_685 = arith.muli %scan3A_32, %mul3A_684 : i32
      %add3A_686 = arith.constant 864 : i32
      %add3A_687 = arith.addi %mul3A_685, %add3A_686 : i32
      %swap3A_688 = arith.index_cast %add3A_687 : i32 to index
      %swap3A_689 = tpu.vector_load %arg4[%swap3A_688] {strides = array<i32>} : memref<16384xi32, #tpu.memory_space<vmem>>, vector<16xi32>,
      %swap3A_690 = vector.shape_cast %swap3A_689 : vector<16xi32> to vector<16xi32>
      %swap3A_691 = vector.shape_cast %add3A_683 : vector<16xi32> to vector<16xi32>
      tpu.vector_store %arg4[%swap3A_688], %swap3A_691 {strides = array<i32>} : memref<16384xi32, #tpu.memory_space<vmem>>, vector<16xi32>,
      %add3A_692 = arith.constant 880 : i32
      %add3A_693 = arith.addi %mul3A_20, %add3A_692 : i32
      %add3A_694 = vector.broadcast %add3A_693 : i32 to vector<16xi32>
      %add3A_695 = arith.addi %add3A_694, %iota3A : vector<16xi32>
      %mul3A_696 = arith.constant 1024 : i32
      %mul3A_697 = arith.muli %scan3A_32, %mul3A_696 : i32
      %add3A_698 = arith.constant 880 : i32
      %add3A_699 = arith.addi %mul3A_697, %add3A_698 : i32
      %swap3A_700 = arith.index_cast %add3A_699 : i32 to index
      %swap3A_701 = tpu.vector_load %arg4[%swap3A_700] {strides = array<i32>} : memref<16384xi32, #tpu.memory_space<vmem>>, vector<16xi32>,
      %swap3A_702 = vector.shape_cast %swap3A_701 : vector<16xi32> to vector<16xi32>
      %swap3A_703 = vector.shape_cast %add3A_695 : vector<16xi32> to vector<16xi32>
      tpu.vector_store %arg4[%swap3A_700], %swap3A_703 {strides = array<i32>} : memref<16384xi32, #tpu.memory_space<vmem>>, vector<16xi32>,
      %add3A_704 = arith.constant 896 : i32
      %add3A_705 = arith.addi %mul3A_20, %add3A_704 : i32
      %add3A_706 = vector.broadcast %add3A_705 : i32 to vector<16xi32>
      %add3A_707 = arith.addi %add3A_706, %iota3A : vector<16xi32>
      %mul3A_708 = arith.constant 1024 : i32
      %mul3A_709 = arith.muli %scan3A_32, %mul3A_708 : i32
      %add3A_710 = arith.constant 896 : i32
      %add3A_711 = arith.addi %mul3A_709, %add3A_710 : i32
      %swap3A_712 = arith.index_cast %add3A_711 : i32 to index
      %swap3A_713 = tpu.vector_load %arg4[%swap3A_712] {strides = array<i32>} : memref<16384xi32, #tpu.memory_space<vmem>>, vector<16xi32>,
      %swap3A_714 = vector.shape_cast %swap3A_713 : vector<16xi32> to vector<16xi32>
      %swap3A_715 = vector.shape_cast %add3A_707 : vector<16xi32> to vector<16xi32>
      tpu.vector_store %arg4[%swap3A_712], %swap3A_715 {strides = array<i32>} : memref<16384xi32, #tpu.memory_space<vmem>>, vector<16xi32>,
      %add3A_716 = arith.constant 912 : i32
      %add3A_717 = arith.addi %mul3A_20, %add3A_716 : i32
      %add3A_718 = vector.broadcast %add3A_717 : i32 to vector<16xi32>
      %add3A_719 = arith.addi %add3A_718, %iota3A : vector<16xi32>
      %mul3A_720 = arith.constant 1024 : i32
      %mul3A_721 = arith.muli %scan3A_32, %mul3A_720 : i32
      %add3A_722 = arith.constant 912 : i32
      %add3A_723 = arith.addi %mul3A_721, %add3A_722 : i32
      %swap3A_724 = arith.index_cast %add3A_723 : i32 to index
      %swap3A_725 = tpu.vector_load %arg4[%swap3A_724] {strides = array<i32>} : memref<16384xi32, #tpu.memory_space<vmem>>, vector<16xi32>,
      %swap3A_726 = vector.shape_cast %swap3A_725 : vector<16xi32> to vector<16xi32>
      %swap3A_727 = vector.shape_cast %add3A_719 : vector<16xi32> to vector<16xi32>
      tpu.vector_store %arg4[%swap3A_724], %swap3A_727 {strides = array<i32>} : memref<16384xi32, #tpu.memory_space<vmem>>, vector<16xi32>,
      %add3A_728 = arith.constant 928 : i32
      %add3A_729 = arith.addi %mul3A_20, %add3A_728 : i32
      %add3A_730 = vector.broadcast %add3A_729 : i32 to vector<16xi32>
      %add3A_731 = arith.addi %add3A_730, %iota3A : vector<16xi32>
      %mul3A_732 = arith.constant 1024 : i32
      %mul3A_733 = arith.muli %scan3A_32, %mul3A_732 : i32
      %add3A_734 = arith.constant 928 : i32
      %add3A_735 = arith.addi %mul3A_733, %add3A_734 : i32
      %swap3A_736 = arith.index_cast %add3A_735 : i32 to index
      %swap3A_737 = tpu.vector_load %arg4[%swap3A_736] {strides = array<i32>} : memref<16384xi32, #tpu.memory_space<vmem>>, vector<16xi32>,
      %swap3A_738 = vector.shape_cast %swap3A_737 : vector<16xi32> to vector<16xi32>
      %swap3A_739 = vector.shape_cast %add3A_731 : vector<16xi32> to vector<16xi32>
      tpu.vector_store %arg4[%swap3A_736], %swap3A_739 {strides = array<i32>} : memref<16384xi32, #tpu.memory_space<vmem>>, vector<16xi32>,
      %add3A_740 = arith.constant 944 : i32
      %add3A_741 = arith.addi %mul3A_20, %add3A_740 : i32
      %add3A_742 = vector.broadcast %add3A_741 : i32 to vector<16xi32>
      %add3A_743 = arith.addi %add3A_742, %iota3A : vector<16xi32>
      %mul3A_744 = arith.constant 1024 : i32
      %mul3A_745 = arith.muli %scan3A_32, %mul3A_744 : i32
      %add3A_746 = arith.constant 944 : i32
      %add3A_747 = arith.addi %mul3A_745, %add3A_746 : i32
      %swap3A_748 = arith.index_cast %add3A_747 : i32 to index
      %swap3A_749 = tpu.vector_load %arg4[%swap3A_748] {strides = array<i32>} : memref<16384xi32, #tpu.memory_space<vmem>>, vector<16xi32>,
      %swap3A_750 = vector.shape_cast %swap3A_749 : vector<16xi32> to vector<16xi32>
      %swap3A_751 = vector.shape_cast %add3A_743 : vector<16xi32> to vector<16xi32>
      tpu.vector_store %arg4[%swap3A_748], %swap3A_751 {strides = array<i32>} : memref<16384xi32, #tpu.memory_space<vmem>>, vector<16xi32>,
      %add3A_752 = arith.constant 960 : i32
      %add3A_753 = arith.addi %mul3A_20, %add3A_752 : i32
      %add3A_754 = vector.broadcast %add3A_753 : i32 to vector<16xi32>
      %add3A_755 = arith.addi %add3A_754, %iota3A : vector<16xi32>
      %mul3A_756 = arith.constant 1024 : i32
      %mul3A_757 = arith.muli %scan3A_32, %mul3A_756 : i32
      %add3A_758 = arith.constant 960 : i32
      %add3A_759 = arith.addi %mul3A_757, %add3A_758 : i32
      %swap3A_760 = arith.index_cast %add3A_759 : i32 to index
      %swap3A_761 = tpu.vector_load %arg4[%swap3A_760] {strides = array<i32>} : memref<16384xi32, #tpu.memory_space<vmem>>, vector<16xi32>,
      %swap3A_762 = vector.shape_cast %swap3A_761 : vector<16xi32> to vector<16xi32>
      %swap3A_763 = vector.shape_cast %add3A_755 : vector<16xi32> to vector<16xi32>
      tpu.vector_store %arg4[%swap3A_760], %swap3A_763 {strides = array<i32>} : memref<16384xi32, #tpu.memory_space<vmem>>, vector<16xi32>,
      %add3A_764 = arith.constant 976 : i32
      %add3A_765 = arith.addi %mul3A_20, %add3A_764 : i32
      %add3A_766 = vector.broadcast %add3A_765 : i32 to vector<16xi32>
      %add3A_767 = arith.addi %add3A_766, %iota3A : vector<16xi32>
      %mul3A_768 = arith.constant 1024 : i32
      %mul3A_769 = arith.muli %scan3A_32, %mul3A_768 : i32
      %add3A_770 = arith.constant 976 : i32
      %add3A_771 = arith.addi %mul3A_769, %add3A_770 : i32
      %swap3A_772 = arith.index_cast %add3A_771 : i32 to index
      %swap3A_773 = tpu.vector_load %arg4[%swap3A_772] {strides = array<i32>} : memref<16384xi32, #tpu.memory_space<vmem>>, vector<16xi32>,
      %swap3A_774 = vector.shape_cast %swap3A_773 : vector<16xi32> to vector<16xi32>
      %swap3A_775 = vector.shape_cast %add3A_767 : vector<16xi32> to vector<16xi32>
      tpu.vector_store %arg4[%swap3A_772], %swap3A_775 {strides = array<i32>} : memref<16384xi32, #tpu.memory_space<vmem>>, vector<16xi32>,
      %add3A_776 = arith.constant 992 : i32
      %add3A_777 = arith.addi %mul3A_20, %add3A_776 : i32
      %add3A_778 = vector.broadcast %add3A_777 : i32 to vector<16xi32>
      %add3A_779 = arith.addi %add3A_778, %iota3A : vector<16xi32>
      %mul3A_780 = arith.constant 1024 : i32
      %mul3A_781 = arith.muli %scan3A_32, %mul3A_780 : i32
      %add3A_782 = arith.constant 992 : i32
      %add3A_783 = arith.addi %mul3A_781, %add3A_782 : i32
      %swap3A_784 = arith.index_cast %add3A_783 : i32 to index
      %swap3A_785 = tpu.vector_load %arg4[%swap3A_784] {strides = array<i32>} : memref<16384xi32, #tpu.memory_space<vmem>>, vector<16xi32>,
      %swap3A_786 = vector.shape_cast %swap3A_785 : vector<16xi32> to vector<16xi32>
      %swap3A_787 = vector.shape_cast %add3A_779 : vector<16xi32> to vector<16xi32>
      tpu.vector_store %arg4[%swap3A_784], %swap3A_787 {strides = array<i32>} : memref<16384xi32, #tpu.memory_space<vmem>>, vector<16xi32>,
      %add3A_788 = arith.constant 1008 : i32
      %add3A_789 = arith.addi %mul3A_20, %add3A_788 : i32
      %add3A_790 = vector.broadcast %add3A_789 : i32 to vector<16xi32>
      %add3A_791 = arith.addi %add3A_790, %iota3A : vector<16xi32>
      %mul3A_792 = arith.constant 1024 : i32
      %mul3A_793 = arith.muli %scan3A_32, %mul3A_792 : i32
      %add3A_794 = arith.constant 1008 : i32
      %add3A_795 = arith.addi %mul3A_793, %add3A_794 : i32
      %swap3A_796 = arith.index_cast %add3A_795 : i32 to index
      %swap3A_797 = tpu.vector_load %arg4[%swap3A_796] {strides = array<i32>} : memref<16384xi32, #tpu.memory_space<vmem>>, vector<16xi32>,
      %swap3A_798 = vector.shape_cast %swap3A_797 : vector<16xi32> to vector<16xi32>
      %swap3A_799 = vector.shape_cast %add3A_791 : vector<16xi32> to vector<16xi32>
      tpu.vector_store %arg4[%swap3A_796], %swap3A_799 {strides = array<i32>} : memref<16384xi32, #tpu.memory_space<vmem>>, vector<16xi32>,
    }
    %scan3A_25 = arith.constant 16 : i32
    %scan3A_26 = arith.constant 0 : i32
    %scan3A_27 = arith.constant 0 : i32
    %scan3A_28 = arith.constant 16 : i32
    %scan3A_29 = arith.addi %scan3A_27, %scan3A_28 : i32
    %scan3A_30 = arith.constant 1 : i32
    scf.for %scan3A_32 = %scan3A_27 to %scan3A_29 step %scan3A_30  : i32 {
      %scan3A_33 = arith.constant 0 : i32
      %scan3A_34 = arith.constant 0 : i32
      %scan3A_35 = arith.constant 16 : i32
      %scan3A_36 = arith.addi %scan3A_34, %scan3A_35 : i32
      %scan3A_37 = arith.constant 1 : i32
      scf.for %scan3A_45 = %scan3A_34 to %scan3A_36 step %scan3A_37  : i32 {
        %mul3A_46 = arith.constant 16 : i32
        %mul3A_47 = arith.muli %scan3A_32, %mul3A_46 : i32
        %add3A_48 = arith.addi %mul3A_2, %mul3A_47 : i32
        %add3A_49 = arith.addi %add3A_48, %scan3A_45 : i32
        %broadcast_in_dim3A = vector.broadcast %add3A_49 : i32 to vector<16xi32>
        %mul3A_50 = arith.constant 1024 : i32
        %mul3A_51 = arith.muli %scan3A_45, %mul3A_50 : i32
        %add3A_52 = arith.constant 0 : i32
        %add3A_53 = arith.addi %mul3A_51, %add3A_52 : i32
        %swap3A = arith.index_cast %add3A_53 : i32 to index
        %swap3A_54 = tpu.vector_load %arg3[%swap3A] {strides = array<i32>} : memref<16384xi32, #tpu.memory_space<vmem>>, vector<16xi32>,
        %swap3A_55 = vector.shape_cast %swap3A_54 : vector<16xi32> to vector<16xi32>
        %swap3A_56 = vector.shape_cast %broadcast_in_dim3A : vector<16xi32> to vector<16xi32>
        tpu.vector_store %arg3[%swap3A], %swap3A_56 {strides = array<i32>} : memref<16384xi32, #tpu.memory_space<vmem>>, vector<16xi32>,
        %mul3A_57 = arith.constant 1024 : i32
        %mul3A_58 = arith.muli %scan3A_45, %mul3A_57 : i32
        %add3A_59 = arith.constant 16 : i32
        %add3A_60 = arith.addi %mul3A_58, %add3A_59 : i32
        %swap3A_61 = arith.index_cast %add3A_60 : i32 to index
        %swap3A_62 = tpu.vector_load %arg3[%swap3A_61] {strides = array<i32>} : memref<16384xi32, #tpu.memory_space<vmem>>, vector<16xi32>,
        %swap3A_63 = vector.shape_cast %swap3A_62 : vector<16xi32> to vector<16xi32>
        %swap3A_64 = vector.shape_cast %broadcast_in_dim3A : vector<16xi32> to vector<16xi32>
        tpu.vector_store %arg3[%swap3A_61], %swap3A_64 {strides = array<i32>} : memref<16384xi32, #tpu.memory_space<vmem>>, vector<16xi32>,
        %mul3A_65 = arith.constant 1024 : i32
        %mul3A_66 = arith.muli %scan3A_45, %mul3A_65 : i32
        %add3A_67 = arith.constant 32 : i32
        %add3A_68 = arith.addi %mul3A_66, %add3A_67 : i32
        %swap3A_69 = arith.index_cast %add3A_68 : i32 to index
        %swap3A_70 = tpu.vector_load %arg3[%swap3A_69] {strides = array<i32>} : memref<16384xi32, #tpu.memory_space<vmem>>, vector<16xi32>,
        %swap3A_71 = vector.shape_cast %swap3A_70 : vector<16xi32> to vector<16xi32>
        %swap3A_72 = vector.shape_cast %broadcast_in_dim3A : vector<16xi32> to vector<16xi32>
        tpu.vector_store %arg3[%swap3A_69], %swap3A_72 {strides = array<i32>} : memref<16384xi32, #tpu.memory_space<vmem>>, vector<16xi32>,
        %mul3A_73 = arith.constant 1024 : i32
        %mul3A_74 = arith.muli %scan3A_45, %mul3A_73 : i32
        %add3A_75 = arith.constant 48 : i32
        %add3A_76 = arith.addi %mul3A_74, %add3A_75 : i32
        %swap3A_77 = arith.index_cast %add3A_76 : i32 to index
        %swap3A_78 = tpu.vector_load %arg3[%swap3A_77] {strides = array<i32>} : memref<16384xi32, #tpu.memory_space<vmem>>, vector<16xi32>,
        %swap3A_79 = vector.shape_cast %swap3A_78 : vector<16xi32> to vector<16xi32>
        %swap3A_80 = vector.shape_cast %broadcast_in_dim3A : vector<16xi32> to vector<16xi32>
        tpu.vector_store %arg3[%swap3A_77], %swap3A_80 {strides = array<i32>} : memref<16384xi32, #tpu.memory_space<vmem>>, vector<16xi32>,
        %mul3A_81 = arith.constant 1024 : i32
        %mul3A_82 = arith.muli %scan3A_45, %mul3A_81 : i32
        %add3A_83 = arith.constant 64 : i32
        %add3A_84 = arith.addi %mul3A_82, %add3A_83 : i32
        %swap3A_85 = arith.index_cast %add3A_84 : i32 to index
        %swap3A_86 = tpu.vector_load %arg3[%swap3A_85] {strides = array<i32>} : memref<16384xi32, #tpu.memory_space<vmem>>, vector<16xi32>,
        %swap3A_87 = vector.shape_cast %swap3A_86 : vector<16xi32> to vector<16xi32>
        %swap3A_88 = vector.shape_cast %broadcast_in_dim3A : vector<16xi32> to vector<16xi32>
        tpu.vector_store %arg3[%swap3A_85], %swap3A_88 {strides = array<i32>} : memref<16384xi32, #tpu.memory_space<vmem>>, vector<16xi32>,
        %mul3A_89 = arith.constant 1024 : i32
        %mul3A_90 = arith.muli %scan3A_45, %mul3A_89 : i32
        %add3A_91 = arith.constant 80 : i32
        %add3A_92 = arith.addi %mul3A_90, %add3A_91 : i32
        %swap3A_93 = arith.index_cast %add3A_92 : i32 to index
        %swap3A_94 = tpu.vector_load %arg3[%swap3A_93] {strides = array<i32>} : memref<16384xi32, #tpu.memory_space<vmem>>, vector<16xi32>,
        %swap3A_95 = vector.shape_cast %swap3A_94 : vector<16xi32> to vector<16xi32>
        %swap3A_96 = vector.shape_cast %broadcast_in_dim3A : vector<16xi32> to vector<16xi32>
        tpu.vector_store %arg3[%swap3A_93], %swap3A_96 {strides = array<i32>} : memref<16384xi32, #tpu.memory_space<vmem>>, vector<16xi32>,
        %mul3A_97 = arith.constant 1024 : i32
        %mul3A_98 = arith.muli %scan3A_45, %mul3A_97 : i32
        %add3A_99 = arith.constant 96 : i32
        %add3A_100 = arith.addi %mul3A_98, %add3A_99 : i32
        %swap3A_101 = arith.index_cast %add3A_100 : i32 to index
        %swap3A_102 = tpu.vector_load %arg3[%swap3A_101] {strides = array<i32>} : memref<16384xi32, #tpu.memory_space<vmem>>, vector<16xi32>,
        %swap3A_103 = vector.shape_cast %swap3A_102 : vector<16xi32> to vector<16xi32>
        %swap3A_104 = vector.shape_cast %broadcast_in_dim3A : vector<16xi32> to vector<16xi32>
        tpu.vector_store %arg3[%swap3A_101], %swap3A_104 {strides = array<i32>} : memref<16384xi32, #tpu.memory_space<vmem>>, vector<16xi32>,
        %mul3A_105 = arith.constant 1024 : i32
        %mul3A_106 = arith.muli %scan3A_45, %mul3A_105 : i32
        %add3A_107 = arith.constant 112 : i32
        %add3A_108 = arith.addi %mul3A_106, %add3A_107 : i32
        %swap3A_109 = arith.index_cast %add3A_108 : i32 to index
        %swap3A_110 = tpu.vector_load %arg3[%swap3A_109] {strides = array<i32>} : memref<16384xi32, #tpu.memory_space<vmem>>, vector<16xi32>,
        %swap3A_111 = vector.shape_cast %swap3A_110 : vector<16xi32> to vector<16xi32>
        %swap3A_112 = vector.shape_cast %broadcast_in_dim3A : vector<16xi32> to vector<16xi32>
        tpu.vector_store %arg3[%swap3A_109], %swap3A_112 {strides = array<i32>} : memref<16384xi32, #tpu.memory_space<vmem>>, vector<16xi32>,
        %mul3A_113 = arith.constant 1024 : i32
        %mul3A_114 = arith.muli %scan3A_45, %mul3A_113 : i32
        %add3A_115 = arith.constant 128 : i32
        %add3A_116 = arith.addi %mul3A_114, %add3A_115 : i32
        %swap3A_117 = arith.index_cast %add3A_116 : i32 to index
        %swap3A_118 = tpu.vector_load %arg3[%swap3A_117] {strides = array<i32>} : memref<16384xi32, #tpu.memory_space<vmem>>, vector<16xi32>,
        %swap3A_119 = vector.shape_cast %swap3A_118 : vector<16xi32> to vector<16xi32>
        %swap3A_120 = vector.shape_cast %broadcast_in_dim3A : vector<16xi32> to vector<16xi32>
        tpu.vector_store %arg3[%swap3A_117], %swap3A_120 {strides = array<i32>} : memref<16384xi32, #tpu.memory_space<vmem>>, vector<16xi32>,
        %mul3A_121 = arith.constant 1024 : i32
        %mul3A_122 = arith.muli %scan3A_45, %mul3A_121 : i32
        %add3A_123 = arith.constant 144 : i32
        %add3A_124 = arith.addi %mul3A_122, %add3A_123 : i32
        %swap3A_125 = arith.index_cast %add3A_124 : i32 to index
        %swap3A_126 = tpu.vector_load %arg3[%swap3A_125] {strides = array<i32>} : memref<16384xi32, #tpu.memory_space<vmem>>, vector<16xi32>,
        %swap3A_127 = vector.shape_cast %swap3A_126 : vector<16xi32> to vector<16xi32>
        %swap3A_128 = vector.shape_cast %broadcast_in_dim3A : vector<16xi32> to vector<16xi32>
        tpu.vector_store %arg3[%swap3A_125], %swap3A_128 {strides = array<i32>} : memref<16384xi32, #tpu.memory_space<vmem>>, vector<16xi32>,
        %mul3A_129 = arith.constant 1024 : i32
        %mul3A_130 = arith.muli %scan3A_45, %mul3A_129 : i32
        %add3A_131 = arith.constant 160 : i32
        %add3A_132 = arith.addi %mul3A_130, %add3A_131 : i32
        %swap3A_133 = arith.index_cast %add3A_132 : i32 to index
        %swap3A_134 = tpu.vector_load %arg3[%swap3A_133] {strides = array<i32>} : memref<16384xi32, #tpu.memory_space<vmem>>, vector<16xi32>,
        %swap3A_135 = vector.shape_cast %swap3A_134 : vector<16xi32> to vector<16xi32>
        %swap3A_136 = vector.shape_cast %broadcast_in_dim3A : vector<16xi32> to vector<16xi32>
        tpu.vector_store %arg3[%swap3A_133], %swap3A_136 {strides = array<i32>} : memref<16384xi32, #tpu.memory_space<vmem>>, vector<16xi32>,
        %mul3A_137 = arith.constant 1024 : i32
        %mul3A_138 = arith.muli %scan3A_45, %mul3A_137 : i32
        %add3A_139 = arith.constant 176 : i32
        %add3A_140 = arith.addi %mul3A_138, %add3A_139 : i32
        %swap3A_141 = arith.index_cast %add3A_140 : i32 to index
        %swap3A_142 = tpu.vector_load %arg3[%swap3A_141] {strides = array<i32>} : memref<16384xi32, #tpu.memory_space<vmem>>, vector<16xi32>,
        %swap3A_143 = vector.shape_cast %swap3A_142 : vector<16xi32> to vector<16xi32>
        %swap3A_144 = vector.shape_cast %broadcast_in_dim3A : vector<16xi32> to vector<16xi32>
        tpu.vector_store %arg3[%swap3A_141], %swap3A_144 {strides = array<i32>} : memref<16384xi32, #tpu.memory_space<vmem>>, vector<16xi32>,
        %mul3A_145 = arith.constant 1024 : i32
        %mul3A_146 = arith.muli %scan3A_45, %mul3A_145 : i32
        %add3A_147 = arith.constant 192 : i32
        %add3A_148 = arith.addi %mul3A_146, %add3A_147 : i32
        %swap3A_149 = arith.index_cast %add3A_148 : i32 to index
        %swap3A_150 = tpu.vector_load %arg3[%swap3A_149] {strides = array<i32>} : memref<16384xi32, #tpu.memory_space<vmem>>, vector<16xi32>,
        %swap3A_151 = vector.shape_cast %swap3A_150 : vector<16xi32> to vector<16xi32>
        %swap3A_152 = vector.shape_cast %broadcast_in_dim3A : vector<16xi32> to vector<16xi32>
        tpu.vector_store %arg3[%swap3A_149], %swap3A_152 {strides = array<i32>} : memref<16384xi32, #tpu.memory_space<vmem>>, vector<16xi32>,
        %mul3A_153 = arith.constant 1024 : i32
        %mul3A_154 = arith.muli %scan3A_45, %mul3A_153 : i32
        %add3A_155 = arith.constant 208 : i32
        %add3A_156 = arith.addi %mul3A_154, %add3A_155 : i32
        %swap3A_157 = arith.index_cast %add3A_156 : i32 to index
        %swap3A_158 = tpu.vector_load %arg3[%swap3A_157] {strides = array<i32>} : memref<16384xi32, #tpu.memory_space<vmem>>, vector<16xi32>,
        %swap3A_159 = vector.shape_cast %swap3A_158 : vector<16xi32> to vector<16xi32>
        %swap3A_160 = vector.shape_cast %broadcast_in_dim3A : vector<16xi32> to vector<16xi32>
        tpu.vector_store %arg3[%swap3A_157], %swap3A_160 {strides = array<i32>} : memref<16384xi32, #tpu.memory_space<vmem>>, vector<16xi32>,
        %mul3A_161 = arith.constant 1024 : i32
        %mul3A_162 = arith.muli %scan3A_45, %mul3A_161 : i32
        %add3A_163 = arith.constant 224 : i32
        %add3A_164 = arith.addi %mul3A_162, %add3A_163 : i32
        %swap3A_165 = arith.index_cast %add3A_164 : i32 to index
        %swap3A_166 = tpu.vector_load %arg3[%swap3A_165] {strides = array<i32>} : memref<16384xi32, #tpu.memory_space<vmem>>, vector<16xi32>,
        %swap3A_167 = vector.shape_cast %swap3A_166 : vector<16xi32> to vector<16xi32>
        %swap3A_168 = vector.shape_cast %broadcast_in_dim3A : vector<16xi32> to vector<16xi32>
        tpu.vector_store %arg3[%swap3A_165], %swap3A_168 {strides = array<i32>} : memref<16384xi32, #tpu.memory_space<vmem>>, vector<16xi32>,
        %mul3A_169 = arith.constant 1024 : i32
        %mul3A_170 = arith.muli %scan3A_45, %mul3A_169 : i32
        %add3A_171 = arith.constant 240 : i32
        %add3A_172 = arith.addi %mul3A_170, %add3A_171 : i32
        %swap3A_173 = arith.index_cast %add3A_172 : i32 to index
        %swap3A_174 = tpu.vector_load %arg3[%swap3A_173] {strides = array<i32>} : memref<16384xi32, #tpu.memory_space<vmem>>, vector<16xi32>,
        %swap3A_175 = vector.shape_cast %swap3A_174 : vector<16xi32> to vector<16xi32>
        %swap3A_176 = vector.shape_cast %broadcast_in_dim3A : vector<16xi32> to vector<16xi32>
        tpu.vector_store %arg3[%swap3A_173], %swap3A_176 {strides = array<i32>} : memref<16384xi32, #tpu.memory_space<vmem>>, vector<16xi32>,
        %mul3A_177 = arith.constant 1024 : i32
        %mul3A_178 = arith.muli %scan3A_45, %mul3A_177 : i32
        %add3A_179 = arith.constant 256 : i32
        %add3A_180 = arith.addi %mul3A_178, %add3A_179 : i32
        %swap3A_181 = arith.index_cast %add3A_180 : i32 to index
        %swap3A_182 = tpu.vector_load %arg3[%swap3A_181] {strides = array<i32>} : memref<16384xi32, #tpu.memory_space<vmem>>, vector<16xi32>,
        %swap3A_183 = vector.shape_cast %swap3A_182 : vector<16xi32> to vector<16xi32>
        %swap3A_184 = vector.shape_cast %broadcast_in_dim3A : vector<16xi32> to vector<16xi32>
        tpu.vector_store %arg3[%swap3A_181], %swap3A_184 {strides = array<i32>} : memref<16384xi32, #tpu.memory_space<vmem>>, vector<16xi32>,
        %mul3A_185 = arith.constant 1024 : i32
        %mul3A_186 = arith.muli %scan3A_45, %mul3A_185 : i32
        %add3A_187 = arith.constant 272 : i32
        %add3A_188 = arith.addi %mul3A_186, %add3A_187 : i32
        %swap3A_189 = arith.index_cast %add3A_188 : i32 to index
        %swap3A_190 = tpu.vector_load %arg3[%swap3A_189] {strides = array<i32>} : memref<16384xi32, #tpu.memory_space<vmem>>, vector<16xi32>,
        %swap3A_191 = vector.shape_cast %swap3A_190 : vector<16xi32> to vector<16xi32>
        %swap3A_192 = vector.shape_cast %broadcast_in_dim3A : vector<16xi32> to vector<16xi32>
        tpu.vector_store %arg3[%swap3A_189], %swap3A_192 {strides = array<i32>} : memref<16384xi32, #tpu.memory_space<vmem>>, vector<16xi32>,
        %mul3A_193 = arith.constant 1024 : i32
        %mul3A_194 = arith.muli %scan3A_45, %mul3A_193 : i32
        %add3A_195 = arith.constant 288 : i32
        %add3A_196 = arith.addi %mul3A_194, %add3A_195 : i32
        %swap3A_197 = arith.index_cast %add3A_196 : i32 to index
        %swap3A_198 = tpu.vector_load %arg3[%swap3A_197] {strides = array<i32>} : memref<16384xi32, #tpu.memory_space<vmem>>, vector<16xi32>,
        %swap3A_199 = vector.shape_cast %swap3A_198 : vector<16xi32> to vector<16xi32>
        %swap3A_200 = vector.shape_cast %broadcast_in_dim3A : vector<16xi32> to vector<16xi32>
        tpu.vector_store %arg3[%swap3A_197], %swap3A_200 {strides = array<i32>} : memref<16384xi32, #tpu.memory_space<vmem>>, vector<16xi32>,
        %mul3A_201 = arith.constant 1024 : i32
        %mul3A_202 = arith.muli %scan3A_45, %mul3A_201 : i32
        %add3A_203 = arith.constant 304 : i32
        %add3A_204 = arith.addi %mul3A_202, %add3A_203 : i32
        %swap3A_205 = arith.index_cast %add3A_204 : i32 to index
        %swap3A_206 = tpu.vector_load %arg3[%swap3A_205] {strides = array<i32>} : memref<16384xi32, #tpu.memory_space<vmem>>, vector<16xi32>,
        %swap3A_207 = vector.shape_cast %swap3A_206 : vector<16xi32> to vector<16xi32>
        %swap3A_208 = vector.shape_cast %broadcast_in_dim3A : vector<16xi32> to vector<16xi32>
        tpu.vector_store %arg3[%swap3A_205], %swap3A_208 {strides = array<i32>} : memref<16384xi32, #tpu.memory_space<vmem>>, vector<16xi32>,
        %mul3A_209 = arith.constant 1024 : i32
        %mul3A_210 = arith.muli %scan3A_45, %mul3A_209 : i32
        %add3A_211 = arith.constant 320 : i32
        %add3A_212 = arith.addi %mul3A_210, %add3A_211 : i32
        %swap3A_213 = arith.index_cast %add3A_212 : i32 to index
        %swap3A_214 = tpu.vector_load %arg3[%swap3A_213] {strides = array<i32>} : memref<16384xi32, #tpu.memory_space<vmem>>, vector<16xi32>,
        %swap3A_215 = vector.shape_cast %swap3A_214 : vector<16xi32> to vector<16xi32>
        %swap3A_216 = vector.shape_cast %broadcast_in_dim3A : vector<16xi32> to vector<16xi32>
        tpu.vector_store %arg3[%swap3A_213], %swap3A_216 {strides = array<i32>} : memref<16384xi32, #tpu.memory_space<vmem>>, vector<16xi32>,
        %mul3A_217 = arith.constant 1024 : i32
        %mul3A_218 = arith.muli %scan3A_45, %mul3A_217 : i32
        %add3A_219 = arith.constant 336 : i32
        %add3A_220 = arith.addi %mul3A_218, %add3A_219 : i32
        %swap3A_221 = arith.index_cast %add3A_220 : i32 to index
        %swap3A_222 = tpu.vector_load %arg3[%swap3A_221] {strides = array<i32>} : memref<16384xi32, #tpu.memory_space<vmem>>, vector<16xi32>,
        %swap3A_223 = vector.shape_cast %swap3A_222 : vector<16xi32> to vector<16xi32>
        %swap3A_224 = vector.shape_cast %broadcast_in_dim3A : vector<16xi32> to vector<16xi32>
        tpu.vector_store %arg3[%swap3A_221], %swap3A_224 {strides = array<i32>} : memref<16384xi32, #tpu.memory_space<vmem>>, vector<16xi32>,
        %mul3A_225 = arith.constant 1024 : i32
        %mul3A_226 = arith.muli %scan3A_45, %mul3A_225 : i32
        %add3A_227 = arith.constant 352 : i32
        %add3A_228 = arith.addi %mul3A_226, %add3A_227 : i32
        %swap3A_229 = arith.index_cast %add3A_228 : i32 to index
        %swap3A_230 = tpu.vector_load %arg3[%swap3A_229] {strides = array<i32>} : memref<16384xi32, #tpu.memory_space<vmem>>, vector<16xi32>,
        %swap3A_231 = vector.shape_cast %swap3A_230 : vector<16xi32> to vector<16xi32>
        %swap3A_232 = vector.shape_cast %broadcast_in_dim3A : vector<16xi32> to vector<16xi32>
        tpu.vector_store %arg3[%swap3A_229], %swap3A_232 {strides = array<i32>} : memref<16384xi32, #tpu.memory_space<vmem>>, vector<16xi32>,
        %mul3A_233 = arith.constant 1024 : i32
        %mul3A_234 = arith.muli %scan3A_45, %mul3A_233 : i32
        %add3A_235 = arith.constant 368 : i32
        %add3A_236 = arith.addi %mul3A_234, %add3A_235 : i32
        %swap3A_237 = arith.index_cast %add3A_236 : i32 to index
        %swap3A_238 = tpu.vector_load %arg3[%swap3A_237] {strides = array<i32>} : memref<16384xi32, #tpu.memory_space<vmem>>, vector<16xi32>,
        %swap3A_239 = vector.shape_cast %swap3A_238 : vector<16xi32> to vector<16xi32>
        %swap3A_240 = vector.shape_cast %broadcast_in_dim3A : vector<16xi32> to vector<16xi32>
        tpu.vector_store %arg3[%swap3A_237], %swap3A_240 {strides = array<i32>} : memref<16384xi32, #tpu.memory_space<vmem>>, vector<16xi32>,
        %mul3A_241 = arith.constant 1024 : i32
        %mul3A_242 = arith.muli %scan3A_45, %mul3A_241 : i32
        %add3A_243 = arith.constant 384 : i32
        %add3A_244 = arith.addi %mul3A_242, %add3A_243 : i32
        %swap3A_245 = arith.index_cast %add3A_244 : i32 to index
        %swap3A_246 = tpu.vector_load %arg3[%swap3A_245] {strides = array<i32>} : memref<16384xi32, #tpu.memory_space<vmem>>, vector<16xi32>,
        %swap3A_247 = vector.shape_cast %swap3A_246 : vector<16xi32> to vector<16xi32>
        %swap3A_248 = vector.shape_cast %broadcast_in_dim3A : vector<16xi32> to vector<16xi32>
        tpu.vector_store %arg3[%swap3A_245], %swap3A_248 {strides = array<i32>} : memref<16384xi32, #tpu.memory_space<vmem>>, vector<16xi32>,
        %mul3A_249 = arith.constant 1024 : i32
        %mul3A_250 = arith.muli %scan3A_45, %mul3A_249 : i32
        %add3A_251 = arith.constant 400 : i32
        %add3A_252 = arith.addi %mul3A_250, %add3A_251 : i32
        %swap3A_253 = arith.index_cast %add3A_252 : i32 to index
        %swap3A_254 = tpu.vector_load %arg3[%swap3A_253] {strides = array<i32>} : memref<16384xi32, #tpu.memory_space<vmem>>, vector<16xi32>,
        %swap3A_255 = vector.shape_cast %swap3A_254 : vector<16xi32> to vector<16xi32>
        %swap3A_256 = vector.shape_cast %broadcast_in_dim3A : vector<16xi32> to vector<16xi32>
        tpu.vector_store %arg3[%swap3A_253], %swap3A_256 {strides = array<i32>} : memref<16384xi32, #tpu.memory_space<vmem>>, vector<16xi32>,
        %mul3A_257 = arith.constant 1024 : i32
        %mul3A_258 = arith.muli %scan3A_45, %mul3A_257 : i32
        %add3A_259 = arith.constant 416 : i32
        %add3A_260 = arith.addi %mul3A_258, %add3A_259 : i32
        %swap3A_261 = arith.index_cast %add3A_260 : i32 to index
        %swap3A_262 = tpu.vector_load %arg3[%swap3A_261] {strides = array<i32>} : memref<16384xi32, #tpu.memory_space<vmem>>, vector<16xi32>,
        %swap3A_263 = vector.shape_cast %swap3A_262 : vector<16xi32> to vector<16xi32>
        %swap3A_264 = vector.shape_cast %broadcast_in_dim3A : vector<16xi32> to vector<16xi32>
        tpu.vector_store %arg3[%swap3A_261], %swap3A_264 {strides = array<i32>} : memref<16384xi32, #tpu.memory_space<vmem>>, vector<16xi32>,
        %mul3A_265 = arith.constant 1024 : i32
        %mul3A_266 = arith.muli %scan3A_45, %mul3A_265 : i32
        %add3A_267 = arith.constant 432 : i32
        %add3A_268 = arith.addi %mul3A_266, %add3A_267 : i32
        %swap3A_269 = arith.index_cast %add3A_268 : i32 to index
        %swap3A_270 = tpu.vector_load %arg3[%swap3A_269] {strides = array<i32>} : memref<16384xi32, #tpu.memory_space<vmem>>, vector<16xi32>,
        %swap3A_271 = vector.shape_cast %swap3A_270 : vector<16xi32> to vector<16xi32>
        %swap3A_272 = vector.shape_cast %broadcast_in_dim3A : vector<16xi32> to vector<16xi32>
        tpu.vector_store %arg3[%swap3A_269], %swap3A_272 {strides = array<i32>} : memref<16384xi32, #tpu.memory_space<vmem>>, vector<16xi32>,
        %mul3A_273 = arith.constant 1024 : i32
        %mul3A_274 = arith.muli %scan3A_45, %mul3A_273 : i32
        %add3A_275 = arith.constant 448 : i32
        %add3A_276 = arith.addi %mul3A_274, %add3A_275 : i32
        %swap3A_277 = arith.index_cast %add3A_276 : i32 to index
        %swap3A_278 = tpu.vector_load %arg3[%swap3A_277] {strides = array<i32>} : memref<16384xi32, #tpu.memory_space<vmem>>, vector<16xi32>,
        %swap3A_279 = vector.shape_cast %swap3A_278 : vector<16xi32> to vector<16xi32>
        %swap3A_280 = vector.shape_cast %broadcast_in_dim3A : vector<16xi32> to vector<16xi32>
        tpu.vector_store %arg3[%swap3A_277], %swap3A_280 {strides = array<i32>} : memref<16384xi32, #tpu.memory_space<vmem>>, vector<16xi32>,
        %mul3A_281 = arith.constant 1024 : i32
        %mul3A_282 = arith.muli %scan3A_45, %mul3A_281 : i32
        %add3A_283 = arith.constant 464 : i32
        %add3A_284 = arith.addi %mul3A_282, %add3A_283 : i32
        %swap3A_285 = arith.index_cast %add3A_284 : i32 to index
        %swap3A_286 = tpu.vector_load %arg3[%swap3A_285] {strides = array<i32>} : memref<16384xi32, #tpu.memory_space<vmem>>, vector<16xi32>,
        %swap3A_287 = vector.shape_cast %swap3A_286 : vector<16xi32> to vector<16xi32>
        %swap3A_288 = vector.shape_cast %broadcast_in_dim3A : vector<16xi32> to vector<16xi32>
        tpu.vector_store %arg3[%swap3A_285], %swap3A_288 {strides = array<i32>} : memref<16384xi32, #tpu.memory_space<vmem>>, vector<16xi32>,
        %mul3A_289 = arith.constant 1024 : i32
        %mul3A_290 = arith.muli %scan3A_45, %mul3A_289 : i32
        %add3A_291 = arith.constant 480 : i32
        %add3A_292 = arith.addi %mul3A_290, %add3A_291 : i32
        %swap3A_293 = arith.index_cast %add3A_292 : i32 to index
        %swap3A_294 = tpu.vector_load %arg3[%swap3A_293] {strides = array<i32>} : memref<16384xi32, #tpu.memory_space<vmem>>, vector<16xi32>,
        %swap3A_295 = vector.shape_cast %swap3A_294 : vector<16xi32> to vector<16xi32>
        %swap3A_296 = vector.shape_cast %broadcast_in_dim3A : vector<16xi32> to vector<16xi32>
        tpu.vector_store %arg3[%swap3A_293], %swap3A_296 {strides = array<i32>} : memref<16384xi32, #tpu.memory_space<vmem>>, vector<16xi32>,
        %mul3A_297 = arith.constant 1024 : i32
        %mul3A_298 = arith.muli %scan3A_45, %mul3A_297 : i32
        %add3A_299 = arith.constant 496 : i32
        %add3A_300 = arith.addi %mul3A_298, %add3A_299 : i32
        %swap3A_301 = arith.index_cast %add3A_300 : i32 to index
        %swap3A_302 = tpu.vector_load %arg3[%swap3A_301] {strides = array<i32>} : memref<16384xi32, #tpu.memory_space<vmem>>, vector<16xi32>,
        %swap3A_303 = vector.shape_cast %swap3A_302 : vector<16xi32> to vector<16xi32>
        %swap3A_304 = vector.shape_cast %broadcast_in_dim3A : vector<16xi32> to vector<16xi32>
        tpu.vector_store %arg3[%swap3A_301], %swap3A_304 {strides = array<i32>} : memref<16384xi32, #tpu.memory_space<vmem>>, vector<16xi32>,
        %mul3A_305 = arith.constant 1024 : i32
        %mul3A_306 = arith.muli %scan3A_45, %mul3A_305 : i32
        %add3A_307 = arith.constant 512 : i32
        %add3A_308 = arith.addi %mul3A_306, %add3A_307 : i32
        %swap3A_309 = arith.index_cast %add3A_308 : i32 to index
        %swap3A_310 = tpu.vector_load %arg3[%swap3A_309] {strides = array<i32>} : memref<16384xi32, #tpu.memory_space<vmem>>, vector<16xi32>,
        %swap3A_311 = vector.shape_cast %swap3A_310 : vector<16xi32> to vector<16xi32>
        %swap3A_312 = vector.shape_cast %broadcast_in_dim3A : vector<16xi32> to vector<16xi32>
        tpu.vector_store %arg3[%swap3A_309], %swap3A_312 {strides = array<i32>} : memref<16384xi32, #tpu.memory_space<vmem>>, vector<16xi32>,
        %mul3A_313 = arith.constant 1024 : i32
        %mul3A_314 = arith.muli %scan3A_45, %mul3A_313 : i32
        %add3A_315 = arith.constant 528 : i32
        %add3A_316 = arith.addi %mul3A_314, %add3A_315 : i32
        %swap3A_317 = arith.index_cast %add3A_316 : i32 to index
        %swap3A_318 = tpu.vector_load %arg3[%swap3A_317] {strides = array<i32>} : memref<16384xi32, #tpu.memory_space<vmem>>, vector<16xi32>,
        %swap3A_319 = vector.shape_cast %swap3A_318 : vector<16xi32> to vector<16xi32>
        %swap3A_320 = vector.shape_cast %broadcast_in_dim3A : vector<16xi32> to vector<16xi32>
        tpu.vector_store %arg3[%swap3A_317], %swap3A_320 {strides = array<i32>} : memref<16384xi32, #tpu.memory_space<vmem>>, vector<16xi32>,
        %mul3A_321 = arith.constant 1024 : i32
        %mul3A_322 = arith.muli %scan3A_45, %mul3A_321 : i32
        %add3A_323 = arith.constant 544 : i32
        %add3A_324 = arith.addi %mul3A_322, %add3A_323 : i32
        %swap3A_325 = arith.index_cast %add3A_324 : i32 to index
        %swap3A_326 = tpu.vector_load %arg3[%swap3A_325] {strides = array<i32>} : memref<16384xi32, #tpu.memory_space<vmem>>, vector<16xi32>,
        %swap3A_327 = vector.shape_cast %swap3A_326 : vector<16xi32> to vector<16xi32>
        %swap3A_328 = vector.shape_cast %broadcast_in_dim3A : vector<16xi32> to vector<16xi32>
        tpu.vector_store %arg3[%swap3A_325], %swap3A_328 {strides = array<i32>} : memref<16384xi32, #tpu.memory_space<vmem>>, vector<16xi32>,
        %mul3A_329 = arith.constant 1024 : i32
        %mul3A_330 = arith.muli %scan3A_45, %mul3A_329 : i32
        %add3A_331 = arith.constant 560 : i32
        %add3A_332 = arith.addi %mul3A_330, %add3A_331 : i32
        %swap3A_333 = arith.index_cast %add3A_332 : i32 to index
        %swap3A_334 = tpu.vector_load %arg3[%swap3A_333] {strides = array<i32>} : memref<16384xi32, #tpu.memory_space<vmem>>, vector<16xi32>,
        %swap3A_335 = vector.shape_cast %swap3A_334 : vector<16xi32> to vector<16xi32>
        %swap3A_336 = vector.shape_cast %broadcast_in_dim3A : vector<16xi32> to vector<16xi32>
        tpu.vector_store %arg3[%swap3A_333], %swap3A_336 {strides = array<i32>} : memref<16384xi32, #tpu.memory_space<vmem>>, vector<16xi32>,
        %mul3A_337 = arith.constant 1024 : i32
        %mul3A_338 = arith.muli %scan3A_45, %mul3A_337 : i32
        %add3A_339 = arith.constant 576 : i32
        %add3A_340 = arith.addi %mul3A_338, %add3A_339 : i32
        %swap3A_341 = arith.index_cast %add3A_340 : i32 to index
        %swap3A_342 = tpu.vector_load %arg3[%swap3A_341] {strides = array<i32>} : memref<16384xi32, #tpu.memory_space<vmem>>, vector<16xi32>,
        %swap3A_343 = vector.shape_cast %swap3A_342 : vector<16xi32> to vector<16xi32>
        %swap3A_344 = vector.shape_cast %broadcast_in_dim3A : vector<16xi32> to vector<16xi32>
        tpu.vector_store %arg3[%swap3A_341], %swap3A_344 {strides = array<i32>} : memref<16384xi32, #tpu.memory_space<vmem>>, vector<16xi32>,
        %mul3A_345 = arith.constant 1024 : i32
        %mul3A_346 = arith.muli %scan3A_45, %mul3A_345 : i32
        %add3A_347 = arith.constant 592 : i32
        %add3A_348 = arith.addi %mul3A_346, %add3A_347 : i32
        %swap3A_349 = arith.index_cast %add3A_348 : i32 to index
        %swap3A_350 = tpu.vector_load %arg3[%swap3A_349] {strides = array<i32>} : memref<16384xi32, #tpu.memory_space<vmem>>, vector<16xi32>,
        %swap3A_351 = vector.shape_cast %swap3A_350 : vector<16xi32> to vector<16xi32>
        %swap3A_352 = vector.shape_cast %broadcast_in_dim3A : vector<16xi32> to vector<16xi32>
        tpu.vector_store %arg3[%swap3A_349], %swap3A_352 {strides = array<i32>} : memref<16384xi32, #tpu.memory_space<vmem>>, vector<16xi32>,
        %mul3A_353 = arith.constant 1024 : i32
        %mul3A_354 = arith.muli %scan3A_45, %mul3A_353 : i32
        %add3A_355 = arith.constant 608 : i32
        %add3A_356 = arith.addi %mul3A_354, %add3A_355 : i32
        %swap3A_357 = arith.index_cast %add3A_356 : i32 to index
        %swap3A_358 = tpu.vector_load %arg3[%swap3A_357] {strides = array<i32>} : memref<16384xi32, #tpu.memory_space<vmem>>, vector<16xi32>,
        %swap3A_359 = vector.shape_cast %swap3A_358 : vector<16xi32> to vector<16xi32>
        %swap3A_360 = vector.shape_cast %broadcast_in_dim3A : vector<16xi32> to vector<16xi32>
        tpu.vector_store %arg3[%swap3A_357], %swap3A_360 {strides = array<i32>} : memref<16384xi32, #tpu.memory_space<vmem>>, vector<16xi32>,
        %mul3A_361 = arith.constant 1024 : i32
        %mul3A_362 = arith.muli %scan3A_45, %mul3A_361 : i32
        %add3A_363 = arith.constant 624 : i32
        %add3A_364 = arith.addi %mul3A_362, %add3A_363 : i32
        %swap3A_365 = arith.index_cast %add3A_364 : i32 to index
        %swap3A_366 = tpu.vector_load %arg3[%swap3A_365] {strides = array<i32>} : memref<16384xi32, #tpu.memory_space<vmem>>, vector<16xi32>,
        %swap3A_367 = vector.shape_cast %swap3A_366 : vector<16xi32> to vector<16xi32>
        %swap3A_368 = vector.shape_cast %broadcast_in_dim3A : vector<16xi32> to vector<16xi32>
        tpu.vector_store %arg3[%swap3A_365], %swap3A_368 {strides = array<i32>} : memref<16384xi32, #tpu.memory_space<vmem>>, vector<16xi32>,
        %mul3A_369 = arith.constant 1024 : i32
        %mul3A_370 = arith.muli %scan3A_45, %mul3A_369 : i32
        %add3A_371 = arith.constant 640 : i32
        %add3A_372 = arith.addi %mul3A_370, %add3A_371 : i32
        %swap3A_373 = arith.index_cast %add3A_372 : i32 to index
        %swap3A_374 = tpu.vector_load %arg3[%swap3A_373] {strides = array<i32>} : memref<16384xi32, #tpu.memory_space<vmem>>, vector<16xi32>,
        %swap3A_375 = vector.shape_cast %swap3A_374 : vector<16xi32> to vector<16xi32>
        %swap3A_376 = vector.shape_cast %broadcast_in_dim3A : vector<16xi32> to vector<16xi32>
        tpu.vector_store %arg3[%swap3A_373], %swap3A_376 {strides = array<i32>} : memref<16384xi32, #tpu.memory_space<vmem>>, vector<16xi32>,
        %mul3A_377 = arith.constant 1024 : i32
        %mul3A_378 = arith.muli %scan3A_45, %mul3A_377 : i32
        %add3A_379 = arith.constant 656 : i32
        %add3A_380 = arith.addi %mul3A_378, %add3A_379 : i32
        %swap3A_381 = arith.index_cast %add3A_380 : i32 to index
        %swap3A_382 = tpu.vector_load %arg3[%swap3A_381] {strides = array<i32>} : memref<16384xi32, #tpu.memory_space<vmem>>, vector<16xi32>,
        %swap3A_383 = vector.shape_cast %swap3A_382 : vector<16xi32> to vector<16xi32>
        %swap3A_384 = vector.shape_cast %broadcast_in_dim3A : vector<16xi32> to vector<16xi32>
        tpu.vector_store %arg3[%swap3A_381], %swap3A_384 {strides = array<i32>} : memref<16384xi32, #tpu.memory_space<vmem>>, vector<16xi32>,
        %mul3A_385 = arith.constant 1024 : i32
        %mul3A_386 = arith.muli %scan3A_45, %mul3A_385 : i32
        %add3A_387 = arith.constant 672 : i32
        %add3A_388 = arith.addi %mul3A_386, %add3A_387 : i32
        %swap3A_389 = arith.index_cast %add3A_388 : i32 to index
        %swap3A_390 = tpu.vector_load %arg3[%swap3A_389] {strides = array<i32>} : memref<16384xi32, #tpu.memory_space<vmem>>, vector<16xi32>,
        %swap3A_391 = vector.shape_cast %swap3A_390 : vector<16xi32> to vector<16xi32>
        %swap3A_392 = vector.shape_cast %broadcast_in_dim3A : vector<16xi32> to vector<16xi32>
        tpu.vector_store %arg3[%swap3A_389], %swap3A_392 {strides = array<i32>} : memref<16384xi32, #tpu.memory_space<vmem>>, vector<16xi32>,
        %mul3A_393 = arith.constant 1024 : i32
        %mul3A_394 = arith.muli %scan3A_45, %mul3A_393 : i32
        %add3A_395 = arith.constant 688 : i32
        %add3A_396 = arith.addi %mul3A_394, %add3A_395 : i32
        %swap3A_397 = arith.index_cast %add3A_396 : i32 to index
        %swap3A_398 = tpu.vector_load %arg3[%swap3A_397] {strides = array<i32>} : memref<16384xi32, #tpu.memory_space<vmem>>, vector<16xi32>,
        %swap3A_399 = vector.shape_cast %swap3A_398 : vector<16xi32> to vector<16xi32>
        %swap3A_400 = vector.shape_cast %broadcast_in_dim3A : vector<16xi32> to vector<16xi32>
        tpu.vector_store %arg3[%swap3A_397], %swap3A_400 {strides = array<i32>} : memref<16384xi32, #tpu.memory_space<vmem>>, vector<16xi32>,
        %mul3A_401 = arith.constant 1024 : i32
        %mul3A_402 = arith.muli %scan3A_45, %mul3A_401 : i32
        %add3A_403 = arith.constant 704 : i32
        %add3A_404 = arith.addi %mul3A_402, %add3A_403 : i32
        %swap3A_405 = arith.index_cast %add3A_404 : i32 to index
        %swap3A_406 = tpu.vector_load %arg3[%swap3A_405] {strides = array<i32>} : memref<16384xi32, #tpu.memory_space<vmem>>, vector<16xi32>,
        %swap3A_407 = vector.shape_cast %swap3A_406 : vector<16xi32> to vector<16xi32>
        %swap3A_408 = vector.shape_cast %broadcast_in_dim3A : vector<16xi32> to vector<16xi32>
        tpu.vector_store %arg3[%swap3A_405], %swap3A_408 {strides = array<i32>} : memref<16384xi32, #tpu.memory_space<vmem>>, vector<16xi32>,
        %mul3A_409 = arith.constant 1024 : i32
        %mul3A_410 = arith.muli %scan3A_45, %mul3A_409 : i32
        %add3A_411 = arith.constant 720 : i32
        %add3A_412 = arith.addi %mul3A_410, %add3A_411 : i32
        %swap3A_413 = arith.index_cast %add3A_412 : i32 to index
        %swap3A_414 = tpu.vector_load %arg3[%swap3A_413] {strides = array<i32>} : memref<16384xi32, #tpu.memory_space<vmem>>, vector<16xi32>,
        %swap3A_415 = vector.shape_cast %swap3A_414 : vector<16xi32> to vector<16xi32>
        %swap3A_416 = vector.shape_cast %broadcast_in_dim3A : vector<16xi32> to vector<16xi32>
        tpu.vector_store %arg3[%swap3A_413], %swap3A_416 {strides = array<i32>} : memref<16384xi32, #tpu.memory_space<vmem>>, vector<16xi32>,
        %mul3A_417 = arith.constant 1024 : i32
        %mul3A_418 = arith.muli %scan3A_45, %mul3A_417 : i32
        %add3A_419 = arith.constant 736 : i32
        %add3A_420 = arith.addi %mul3A_418, %add3A_419 : i32
        %swap3A_421 = arith.index_cast %add3A_420 : i32 to index
        %swap3A_422 = tpu.vector_load %arg3[%swap3A_421] {strides = array<i32>} : memref<16384xi32, #tpu.memory_space<vmem>>, vector<16xi32>,
        %swap3A_423 = vector.shape_cast %swap3A_422 : vector<16xi32> to vector<16xi32>
        %swap3A_424 = vector.shape_cast %broadcast_in_dim3A : vector<16xi32> to vector<16xi32>
        tpu.vector_store %arg3[%swap3A_421], %swap3A_424 {strides = array<i32>} : memref<16384xi32, #tpu.memory_space<vmem>>, vector<16xi32>,
        %mul3A_425 = arith.constant 1024 : i32
        %mul3A_426 = arith.muli %scan3A_45, %mul3A_425 : i32
        %add3A_427 = arith.constant 752 : i32
        %add3A_428 = arith.addi %mul3A_426, %add3A_427 : i32
        %swap3A_429 = arith.index_cast %add3A_428 : i32 to index
        %swap3A_430 = tpu.vector_load %arg3[%swap3A_429] {strides = array<i32>} : memref<16384xi32, #tpu.memory_space<vmem>>, vector<16xi32>,
        %swap3A_431 = vector.shape_cast %swap3A_430 : vector<16xi32> to vector<16xi32>
        %swap3A_432 = vector.shape_cast %broadcast_in_dim3A : vector<16xi32> to vector<16xi32>
        tpu.vector_store %arg3[%swap3A_429], %swap3A_432 {strides = array<i32>} : memref<16384xi32, #tpu.memory_space<vmem>>, vector<16xi32>,
        %mul3A_433 = arith.constant 1024 : i32
        %mul3A_434 = arith.muli %scan3A_45, %mul3A_433 : i32
        %add3A_435 = arith.constant 768 : i32
        %add3A_436 = arith.addi %mul3A_434, %add3A_435 : i32
        %swap3A_437 = arith.index_cast %add3A_436 : i32 to index
        %swap3A_438 = tpu.vector_load %arg3[%swap3A_437] {strides = array<i32>} : memref<16384xi32, #tpu.memory_space<vmem>>, vector<16xi32>,
        %swap3A_439 = vector.shape_cast %swap3A_438 : vector<16xi32> to vector<16xi32>
        %swap3A_440 = vector.shape_cast %broadcast_in_dim3A : vector<16xi32> to vector<16xi32>
        tpu.vector_store %arg3[%swap3A_437], %swap3A_440 {strides = array<i32>} : memref<16384xi32, #tpu.memory_space<vmem>>, vector<16xi32>,
        %mul3A_441 = arith.constant 1024 : i32
        %mul3A_442 = arith.muli %scan3A_45, %mul3A_441 : i32
        %add3A_443 = arith.constant 784 : i32
        %add3A_444 = arith.addi %mul3A_442, %add3A_443 : i32
        %swap3A_445 = arith.index_cast %add3A_444 : i32 to index
        %swap3A_446 = tpu.vector_load %arg3[%swap3A_445] {strides = array<i32>} : memref<16384xi32, #tpu.memory_space<vmem>>, vector<16xi32>,
        %swap3A_447 = vector.shape_cast %swap3A_446 : vector<16xi32> to vector<16xi32>
        %swap3A_448 = vector.shape_cast %broadcast_in_dim3A : vector<16xi32> to vector<16xi32>
        tpu.vector_store %arg3[%swap3A_445], %swap3A_448 {strides = array<i32>} : memref<16384xi32, #tpu.memory_space<vmem>>, vector<16xi32>,
        %mul3A_449 = arith.constant 1024 : i32
        %mul3A_450 = arith.muli %scan3A_45, %mul3A_449 : i32
        %add3A_451 = arith.constant 800 : i32
        %add3A_452 = arith.addi %mul3A_450, %add3A_451 : i32
        %swap3A_453 = arith.index_cast %add3A_452 : i32 to index
        %swap3A_454 = tpu.vector_load %arg3[%swap3A_453] {strides = array<i32>} : memref<16384xi32, #tpu.memory_space<vmem>>, vector<16xi32>,
        %swap3A_455 = vector.shape_cast %swap3A_454 : vector<16xi32> to vector<16xi32>
        %swap3A_456 = vector.shape_cast %broadcast_in_dim3A : vector<16xi32> to vector<16xi32>
        tpu.vector_store %arg3[%swap3A_453], %swap3A_456 {strides = array<i32>} : memref<16384xi32, #tpu.memory_space<vmem>>, vector<16xi32>,
        %mul3A_457 = arith.constant 1024 : i32
        %mul3A_458 = arith.muli %scan3A_45, %mul3A_457 : i32
        %add3A_459 = arith.constant 816 : i32
        %add3A_460 = arith.addi %mul3A_458, %add3A_459 : i32
        %swap3A_461 = arith.index_cast %add3A_460 : i32 to index
        %swap3A_462 = tpu.vector_load %arg3[%swap3A_461] {strides = array<i32>} : memref<16384xi32, #tpu.memory_space<vmem>>, vector<16xi32>,
        %swap3A_463 = vector.shape_cast %swap3A_462 : vector<16xi32> to vector<16xi32>
        %swap3A_464 = vector.shape_cast %broadcast_in_dim3A : vector<16xi32> to vector<16xi32>
        tpu.vector_store %arg3[%swap3A_461], %swap3A_464 {strides = array<i32>} : memref<16384xi32, #tpu.memory_space<vmem>>, vector<16xi32>,
        %mul3A_465 = arith.constant 1024 : i32
        %mul3A_466 = arith.muli %scan3A_45, %mul3A_465 : i32
        %add3A_467 = arith.constant 832 : i32
        %add3A_468 = arith.addi %mul3A_466, %add3A_467 : i32
        %swap3A_469 = arith.index_cast %add3A_468 : i32 to index
        %swap3A_470 = tpu.vector_load %arg3[%swap3A_469] {strides = array<i32>} : memref<16384xi32, #tpu.memory_space<vmem>>, vector<16xi32>,
        %swap3A_471 = vector.shape_cast %swap3A_470 : vector<16xi32> to vector<16xi32>
        %swap3A_472 = vector.shape_cast %broadcast_in_dim3A : vector<16xi32> to vector<16xi32>
        tpu.vector_store %arg3[%swap3A_469], %swap3A_472 {strides = array<i32>} : memref<16384xi32, #tpu.memory_space<vmem>>, vector<16xi32>,
        %mul3A_473 = arith.constant 1024 : i32
        %mul3A_474 = arith.muli %scan3A_45, %mul3A_473 : i32
        %add3A_475 = arith.constant 848 : i32
        %add3A_476 = arith.addi %mul3A_474, %add3A_475 : i32
        %swap3A_477 = arith.index_cast %add3A_476 : i32 to index
        %swap3A_478 = tpu.vector_load %arg3[%swap3A_477] {strides = array<i32>} : memref<16384xi32, #tpu.memory_space<vmem>>, vector<16xi32>,
        %swap3A_479 = vector.shape_cast %swap3A_478 : vector<16xi32> to vector<16xi32>
        %swap3A_480 = vector.shape_cast %broadcast_in_dim3A : vector<16xi32> to vector<16xi32>
        tpu.vector_store %arg3[%swap3A_477], %swap3A_480 {strides = array<i32>} : memref<16384xi32, #tpu.memory_space<vmem>>, vector<16xi32>,
        %mul3A_481 = arith.constant 1024 : i32
        %mul3A_482 = arith.muli %scan3A_45, %mul3A_481 : i32
        %add3A_483 = arith.constant 864 : i32
        %add3A_484 = arith.addi %mul3A_482, %add3A_483 : i32
        %swap3A_485 = arith.index_cast %add3A_484 : i32 to index
        %swap3A_486 = tpu.vector_load %arg3[%swap3A_485] {strides = array<i32>} : memref<16384xi32, #tpu.memory_space<vmem>>, vector<16xi32>,
        %swap3A_487 = vector.shape_cast %swap3A_486 : vector<16xi32> to vector<16xi32>
        %swap3A_488 = vector.shape_cast %broadcast_in_dim3A : vector<16xi32> to vector<16xi32>
        tpu.vector_store %arg3[%swap3A_485], %swap3A_488 {strides = array<i32>} : memref<16384xi32, #tpu.memory_space<vmem>>, vector<16xi32>,
        %mul3A_489 = arith.constant 1024 : i32
        %mul3A_490 = arith.muli %scan3A_45, %mul3A_489 : i32
        %add3A_491 = arith.constant 880 : i32
        %add3A_492 = arith.addi %mul3A_490, %add3A_491 : i32
        %swap3A_493 = arith.index_cast %add3A_492 : i32 to index
        %swap3A_494 = tpu.vector_load %arg3[%swap3A_493] {strides = array<i32>} : memref<16384xi32, #tpu.memory_space<vmem>>, vector<16xi32>,
        %swap3A_495 = vector.shape_cast %swap3A_494 : vector<16xi32> to vector<16xi32>
        %swap3A_496 = vector.shape_cast %broadcast_in_dim3A : vector<16xi32> to vector<16xi32>
        tpu.vector_store %arg3[%swap3A_493], %swap3A_496 {strides = array<i32>} : memref<16384xi32, #tpu.memory_space<vmem>>, vector<16xi32>,
        %mul3A_497 = arith.constant 1024 : i32
        %mul3A_498 = arith.muli %scan3A_45, %mul3A_497 : i32
        %add3A_499 = arith.constant 896 : i32
        %add3A_500 = arith.addi %mul3A_498, %add3A_499 : i32
        %swap3A_501 = arith.index_cast %add3A_500 : i32 to index
        %swap3A_502 = tpu.vector_load %arg3[%swap3A_501] {strides = array<i32>} : memref<16384xi32, #tpu.memory_space<vmem>>, vector<16xi32>,
        %swap3A_503 = vector.shape_cast %swap3A_502 : vector<16xi32> to vector<16xi32>
        %swap3A_504 = vector.shape_cast %broadcast_in_dim3A : vector<16xi32> to vector<16xi32>
        tpu.vector_store %arg3[%swap3A_501], %swap3A_504 {strides = array<i32>} : memref<16384xi32, #tpu.memory_space<vmem>>, vector<16xi32>,
        %mul3A_505 = arith.constant 1024 : i32
        %mul3A_506 = arith.muli %scan3A_45, %mul3A_505 : i32
        %add3A_507 = arith.constant 912 : i32
        %add3A_508 = arith.addi %mul3A_506, %add3A_507 : i32
        %swap3A_509 = arith.index_cast %add3A_508 : i32 to index
        %swap3A_510 = tpu.vector_load %arg3[%swap3A_509] {strides = array<i32>} : memref<16384xi32, #tpu.memory_space<vmem>>, vector<16xi32>,
        %swap3A_511 = vector.shape_cast %swap3A_510 : vector<16xi32> to vector<16xi32>
        %swap3A_512 = vector.shape_cast %broadcast_in_dim3A : vector<16xi32> to vector<16xi32>
        tpu.vector_store %arg3[%swap3A_509], %swap3A_512 {strides = array<i32>} : memref<16384xi32, #tpu.memory_space<vmem>>, vector<16xi32>,
        %mul3A_513 = arith.constant 1024 : i32
        %mul3A_514 = arith.muli %scan3A_45, %mul3A_513 : i32
        %add3A_515 = arith.constant 928 : i32
        %add3A_516 = arith.addi %mul3A_514, %add3A_515 : i32
        %swap3A_517 = arith.index_cast %add3A_516 : i32 to index
        %swap3A_518 = tpu.vector_load %arg3[%swap3A_517] {strides = array<i32>} : memref<16384xi32, #tpu.memory_space<vmem>>, vector<16xi32>,
        %swap3A_519 = vector.shape_cast %swap3A_518 : vector<16xi32> to vector<16xi32>
        %swap3A_520 = vector.shape_cast %broadcast_in_dim3A : vector<16xi32> to vector<16xi32>
        tpu.vector_store %arg3[%swap3A_517], %swap3A_520 {strides = array<i32>} : memref<16384xi32, #tpu.memory_space<vmem>>, vector<16xi32>,
        %mul3A_521 = arith.constant 1024 : i32
        %mul3A_522 = arith.muli %scan3A_45, %mul3A_521 : i32
        %add3A_523 = arith.constant 944 : i32
        %add3A_524 = arith.addi %mul3A_522, %add3A_523 : i32
        %swap3A_525 = arith.index_cast %add3A_524 : i32 to index
        %swap3A_526 = tpu.vector_load %arg3[%swap3A_525] {strides = array<i32>} : memref<16384xi32, #tpu.memory_space<vmem>>, vector<16xi32>,
        %swap3A_527 = vector.shape_cast %swap3A_526 : vector<16xi32> to vector<16xi32>
        %swap3A_528 = vector.shape_cast %broadcast_in_dim3A : vector<16xi32> to vector<16xi32>
        tpu.vector_store %arg3[%swap3A_525], %swap3A_528 {strides = array<i32>} : memref<16384xi32, #tpu.memory_space<vmem>>, vector<16xi32>,
        %mul3A_529 = arith.constant 1024 : i32
        %mul3A_530 = arith.muli %scan3A_45, %mul3A_529 : i32
        %add3A_531 = arith.constant 960 : i32
        %add3A_532 = arith.addi %mul3A_530, %add3A_531 : i32
        %swap3A_533 = arith.index_cast %add3A_532 : i32 to index
        %swap3A_534 = tpu.vector_load %arg3[%swap3A_533] {strides = array<i32>} : memref<16384xi32, #tpu.memory_space<vmem>>, vector<16xi32>,
        %swap3A_535 = vector.shape_cast %swap3A_534 : vector<16xi32> to vector<16xi32>
        %swap3A_536 = vector.shape_cast %broadcast_in_dim3A : vector<16xi32> to vector<16xi32>
        tpu.vector_store %arg3[%swap3A_533], %swap3A_536 {strides = array<i32>} : memref<16384xi32, #tpu.memory_space<vmem>>, vector<16xi32>,
        %mul3A_537 = arith.constant 1024 : i32
        %mul3A_538 = arith.muli %scan3A_45, %mul3A_537 : i32
        %add3A_539 = arith.constant 976 : i32
        %add3A_540 = arith.addi %mul3A_538, %add3A_539 : i32
        %swap3A_541 = arith.index_cast %add3A_540 : i32 to index
        %swap3A_542 = tpu.vector_load %arg3[%swap3A_541] {strides = array<i32>} : memref<16384xi32, #tpu.memory_space<vmem>>, vector<16xi32>,
        %swap3A_543 = vector.shape_cast %swap3A_542 : vector<16xi32> to vector<16xi32>
        %swap3A_544 = vector.shape_cast %broadcast_in_dim3A : vector<16xi32> to vector<16xi32>
        tpu.vector_store %arg3[%swap3A_541], %swap3A_544 {strides = array<i32>} : memref<16384xi32, #tpu.memory_space<vmem>>, vector<16xi32>,
        %mul3A_545 = arith.constant 1024 : i32
        %mul3A_546 = arith.muli %scan3A_45, %mul3A_545 : i32
        %add3A_547 = arith.constant 992 : i32
        %add3A_548 = arith.addi %mul3A_546, %add3A_547 : i32
        %swap3A_549 = arith.index_cast %add3A_548 : i32 to index
        %swap3A_550 = tpu.vector_load %arg3[%swap3A_549] {strides = array<i32>} : memref<16384xi32, #tpu.memory_space<vmem>>, vector<16xi32>,
        %swap3A_551 = vector.shape_cast %swap3A_550 : vector<16xi32> to vector<16xi32>
        %swap3A_552 = vector.shape_cast %broadcast_in_dim3A : vector<16xi32> to vector<16xi32>
        tpu.vector_store %arg3[%swap3A_549], %swap3A_552 {strides = array<i32>} : memref<16384xi32, #tpu.memory_space<vmem>>, vector<16xi32>,
        %mul3A_553 = arith.constant 1024 : i32
        %mul3A_554 = arith.muli %scan3A_45, %mul3A_553 : i32
        %add3A_555 = arith.constant 1008 : i32
        %add3A_556 = arith.addi %mul3A_554, %add3A_555 : i32
        %swap3A_557 = arith.index_cast %add3A_556 : i32 to index
        %swap3A_558 = tpu.vector_load %arg3[%swap3A_557] {strides = array<i32>} : memref<16384xi32, #tpu.memory_space<vmem>>, vector<16xi32>,
        %swap3A_559 = vector.shape_cast %swap3A_558 : vector<16xi32> to vector<16xi32>
        %swap3A_560 = vector.shape_cast %broadcast_in_dim3A : vector<16xi32> to vector<16xi32>
        tpu.vector_store %arg3[%swap3A_557], %swap3A_560 {strides = array<i32>} : memref<16384xi32, #tpu.memory_space<vmem>>, vector<16xi32>,
      }
      %scan3A_38 = arith.constant 16 : i32
      %mul3A_39 = arith.constant 16 : i32
      %mul3A_40 = arith.muli %scan3A_32, %mul3A_39 : i32
      %add3A_41 = arith.addi %mul3A_2, %mul3A_40 : i32
      %mul3A_42 = arith.constant 1024 : i32
      %mul3A_43 = arith.muli %add3A_41, %mul3A_42 : i32
      %run_scoped3A = arith.constant 0 : i32
      "tpu.region"() ({
        %run_scoped3A_45 = tpu.sem_alloc : memref<!tpu.dma_semaphore, #tpu.memory_space<semaphore_mem>>
        %dma_start3A = tpu.memref_slice %arg2[%run_scoped3A, %mul3A_43] : memref<2x8388608xi32, #tpu.memory_space<hbm>> -> memref<1x16384xi32, #tpu.memory_space<hbm>>
        %dma_start3A_46 = tpu.memref_squeeze %dma_start3A : memref<1x16384xi32, #tpu.memory_space<hbm>> -> memref<16384xi32, #tpu.memory_space<hbm>>
        %dma_start3A_47 = tpu.memref_slice %arg2[%run_scoped3A, %mul3A_43] : memref<2x8388608xi32, #tpu.memory_space<hbm>> -> memref<1x16384xi32, #tpu.memory_space<hbm>>
        %dma_start3A_48 = tpu.memref_squeeze %dma_start3A_47 : memref<1x16384xi32, #tpu.memory_space<hbm>> -> memref<16384xi32, #tpu.memory_space<hbm>>
        tpu.enqueue_dma source(%arg3 : memref<16384xi32, #tpu.memory_space<vmem>>) target(%dma_start3A_48 : memref<16384xi32, #tpu.memory_space<hbm>>) target_semaphore(%run_scoped3A_45 : memref<!tpu.dma_semaphore, #tpu.memory_space<semaphore_mem>>)
        %dma_wait3A = tpu.memref_slice %arg2[%run_scoped3A, %mul3A_43] : memref<2x8388608xi32, #tpu.memory_space<hbm>> -> memref<1x16384xi32, #tpu.memory_space<hbm>>
        %dma_wait3A_49 = tpu.memref_squeeze %dma_wait3A : memref<1x16384xi32, #tpu.memory_space<hbm>> -> memref<16384xi32, #tpu.memory_space<hbm>>
        %dma_wait3A_50 = tpu.memref_slice %arg2[%run_scoped3A, %mul3A_43] : memref<2x8388608xi32, #tpu.memory_space<hbm>> -> memref<1x16384xi32, #tpu.memory_space<hbm>>
        %dma_wait3A_51 = tpu.memref_squeeze %dma_wait3A_50 : memref<1x16384xi32, #tpu.memory_space<hbm>> -> memref<16384xi32, #tpu.memory_space<hbm>>
        tpu.wait_dma2 semaphore(%run_scoped3A_45 : memref<!tpu.dma_semaphore, #tpu.memory_space<semaphore_mem>>) src(%arg3 : memref<16384xi32, #tpu.memory_space<vmem>>) dst(%dma_wait3A_51 : memref<16384xi32, #tpu.memory_space<hbm>>)
        tpu.yield
      }) : () -> ()
      %run_scoped3A_44 = arith.constant 1 : i32
      "tpu.region"() ({
        %run_scoped3A_45 = tpu.sem_alloc : memref<!tpu.dma_semaphore, #tpu.memory_space<semaphore_mem>>
        %dma_start3A = tpu.memref_slice %arg2[%run_scoped3A_44, %mul3A_43] : memref<2x8388608xi32, #tpu.memory_space<hbm>> -> memref<1x16384xi32, #tpu.memory_space<hbm>>
        %dma_start3A_46 = tpu.memref_squeeze %dma_start3A : memref<1x16384xi32, #tpu.memory_space<hbm>> -> memref<16384xi32, #tpu.memory_space<hbm>>
        %dma_start3A_47 = tpu.memref_slice %arg2[%run_scoped3A_44, %mul3A_43] : memref<2x8388608xi32, #tpu.memory_space<hbm>> -> memref<1x16384xi32, #tpu.memory_space<hbm>>
        %dma_start3A_48 = tpu.memref_squeeze %dma_start3A_47 : memref<1x16384xi32, #tpu.memory_space<hbm>> -> memref<16384xi32, #tpu.memory_space<hbm>>
        tpu.enqueue_dma source(%arg4 : memref<16384xi32, #tpu.memory_space<vmem>>) target(%dma_start3A_48 : memref<16384xi32, #tpu.memory_space<hbm>>) target_semaphore(%run_scoped3A_45 : memref<!tpu.dma_semaphore, #tpu.memory_space<semaphore_mem>>)
        %dma_wait3A = tpu.memref_slice %arg2[%run_scoped3A_44, %mul3A_43] : memref<2x8388608xi32, #tpu.memory_space<hbm>> -> memref<1x16384xi32, #tpu.memory_space<hbm>>
        %dma_wait3A_49 = tpu.memref_squeeze %dma_wait3A : memref<1x16384xi32, #tpu.memory_space<hbm>> -> memref<16384xi32, #tpu.memory_space<hbm>>
        %dma_wait3A_50 = tpu.memref_slice %arg2[%run_scoped3A_44, %mul3A_43] : memref<2x8388608xi32, #tpu.memory_space<hbm>> -> memref<1x16384xi32, #tpu.memory_space<hbm>>
        %dma_wait3A_51 = tpu.memref_squeeze %dma_wait3A_50 : memref<1x16384xi32, #tpu.memory_space<hbm>> -> memref<16384xi32, #tpu.memory_space<hbm>>
        tpu.wait_dma2 semaphore(%run_scoped3A_45 : memref<!tpu.dma_semaphore, #tpu.memory_space<semaphore_mem>>) src(%arg4 : memref<16384xi32, #tpu.memory_space<vmem>>) dst(%dma_wait3A_51 : memref<16384xi32, #tpu.memory_space<hbm>>)
        tpu.yield
      }) : () -> ()
    }
    %scan3A_31 = arith.constant 16 : i32
    return
  }
}

module attributes {stable_mosaic.version = 14 : i64} {
  func.func @_body(%arg0: i32, %arg1: memref<1024x1024xf32, #tpu.memory_space<vmem>>, %arg2: memref<1x1024x1024xf32, #tpu.memory_space<vmem>>, %arg3: memref<1048576xf32, #tpu.memory_space<vmem>>, %arg4: memref<1024xf32, #tpu.memory_space<vmem>>) attributes {dimension_semantics = [#tpu.dimension_semantics<parallel>], iteration_bounds = array<i64: 8>, scalar_prefetch = 0 : i64, scratch_operands = 0 : i64, tpu.core_type = #tpu.core_type<tc>, window_params = [{transform_indices = @transform_0, window_bounds = array<i64: 1024, 1024>}, {transform_indices = @transform_1, window_bounds = array<i64: 1, 1024, 1024>}, {transform_indices = @transform_2, window_bounds = array<i64: 1048576>}, {transform_indices = @transform_3, window_bounds = array<i64: 1024>}]} {
    %get3A = arith.constant 0 : index
    %get3A_0 = arith.constant 0 : index
    %get3A_1 = vector.load %arg1[%get3A, %get3A_0] : memref<1024x1024xf32, #tpu.memory_space<vmem>>, vector<1024x1024xf32>
    %transpose3A = tpu.transpose %get3A_1, [1, 0] : vector<1024x1024xf32> -> vector<1024x1024xf32>
    %exp3A = math.exp %transpose3A : vector<1024x1024xf32>
    %reduce_sum3A = arith.constant dense<0.000000e+00> : vector<1024xf32>
    %reduce_sum3A_2 = vector.multi_reduction <add>, %exp3A, %reduce_sum3A [0] : vector<1024x1024xf32> to vector<1024xf32>
    %broadcast_in_dim3A = vector.shape_cast %reduce_sum3A_2 : vector<1024xf32> to vector<1x1024xf32>
    %log3A = math.log %broadcast_in_dim3A : vector<1x1024xf32>
    %broadcast_in_dim3A_3 = arith.constant -2147483648 : i32
    %broadcast_in_dim3A_4 = vector.broadcast %broadcast_in_dim3A_3 : i32 to vector<1x1024xi32>
    %broadcast_in_dim3A_5 = arith.constant 2147483647 : i32
    %broadcast_in_dim3A_6 = vector.broadcast %broadcast_in_dim3A_5 : i32 to vector<1x1024xi32>
    %scan3A = arith.constant 0 : i32
    %scan3A_7 = arith.constant 32 : i32
    %scan3A_8 = arith.addi %scan3A, %scan3A_7 : i32
    %scan3A_9 = arith.constant 1 : i32
    %scan3A_10:2 = scf.for %scan3A_32 = %scan3A to %scan3A_8 step %scan3A_9 iter_args(%scan3A_33 = %broadcast_in_dim3A_4, %scan3A_34 = %broadcast_in_dim3A_6) -> (vector<1x1024xi32>, vector<1x1024xi32>)  : i32 {
      %sub3A_35 = arith.subi %scan3A_34, %scan3A_33 : vector<1x1024xi32>
      %shift_right_logical3A = arith.constant 1 : i32
      %shift_right_logical3A_36 = vector.broadcast %shift_right_logical3A : i32 to vector<1x1024xi32>
      %shift_right_logical3A_37 = arith.shrui %sub3A_35, %shift_right_logical3A_36 : vector<1x1024xi32>
      %add3A = arith.addi %scan3A_33, %shift_right_logical3A_37 : vector<1x1024xi32>
      %shift_right_arithmetic3A_38 = arith.constant 31 : i32
      %shift_right_arithmetic3A_39 = vector.broadcast %shift_right_arithmetic3A_38 : i32 to vector<1x1024xi32>
      %shift_right_arithmetic3A_40 = arith.shrsi %add3A, %shift_right_arithmetic3A_39 : vector<1x1024xi32>
      %and3A_41 = arith.constant 2147483647 : i32
      %and3A_42 = vector.broadcast %and3A_41 : i32 to vector<1x1024xi32>
      %and3A_43 = arith.andi %shift_right_arithmetic3A_40, %and3A_42 : vector<1x1024xi32>
      %xor3A_44 = arith.xori %add3A, %and3A_43 : vector<1x1024xi32>
      %bitcast_convert_type3A_45 = tpu.bitcast %xor3A_44 : vector<1x1024xi32> -> vector<1x1024xf32>
      %gt3A = vector.broadcast %bitcast_convert_type3A_45 : vector<1x1024xf32> to vector<1024x1024xf32>
      %gt3A_46 = arith.cmpf ogt, %transpose3A, %gt3A : vector<1024x1024xf32>
      %convert_element_type3A_47 = arith.extui %gt3A_46 : vector<1024x1024xi1> to vector<1024x1024xi32>
      %reduce_sum3A_48 = arith.constant dense<0> : vector<1024xi32>
      %reduce_sum3A_49 = vector.multi_reduction <add>, %convert_element_type3A_47, %reduce_sum3A_48 [0] : vector<1024x1024xi32> to vector<1024xi32>
      %broadcast_in_dim3A_50 = vector.shape_cast %reduce_sum3A_49 : vector<1024xi32> to vector<1x1024xi32>
      %ge3A_51 = arith.constant 32 : i32
      %ge3A_52 = vector.broadcast %ge3A_51 : i32 to vector<1x1024xi32>
      %ge3A_53 = arith.cmpi sge, %broadcast_in_dim3A_50, %ge3A_52 : vector<1x1024xi32>
      %add3A_54 = arith.constant 1 : i32
      %add3A_55 = vector.broadcast %add3A_54 : i32 to vector<1x1024xi32>
      %add3A_56 = arith.addi %add3A, %add3A_55 : vector<1x1024xi32>
      %select_n3A_57 = arith.select %ge3A_53, %add3A_56, %scan3A_33 : vector<1x1024xi1>, vector<1x1024xi32>
      %select_n3A_58 = arith.select %ge3A_53, %scan3A_34, %add3A : vector<1x1024xi1>, vector<1x1024xi32>
      scf.yield %select_n3A_57, %select_n3A_58 : vector<1x1024xi32>, vector<1x1024xi32>
    }
    %shift_right_arithmetic3A = arith.constant 31 : i32
    %shift_right_arithmetic3A_11 = vector.broadcast %shift_right_arithmetic3A : i32 to vector<1x1024xi32>
    %shift_right_arithmetic3A_12 = arith.shrsi %scan3A_10#0, %shift_right_arithmetic3A_11 : vector<1x1024xi32>
    %and3A = arith.constant 2147483647 : i32
    %and3A_13 = vector.broadcast %and3A : i32 to vector<1x1024xi32>
    %and3A_14 = arith.andi %shift_right_arithmetic3A_12, %and3A_13 : vector<1x1024xi32>
    %xor3A = arith.xori %scan3A_10#0, %and3A_14 : vector<1x1024xi32>
    %bitcast_convert_type3A = tpu.bitcast %xor3A : vector<1x1024xi32> -> vector<1x1024xf32>
    %ge3A = vector.broadcast %bitcast_convert_type3A : vector<1x1024xf32> to vector<1024x1024xf32>
    %ge3A_15 = arith.cmpf oge, %transpose3A, %ge3A : vector<1024x1024xf32>
    %jit3A = arith.constant 0.000000e+00 : f32
    %broadcast_in_dim3A_16 = vector.broadcast %jit3A : f32 to vector<1024x1024xf32>
    %select_n3A = arith.select %ge3A_15, %transpose3A, %broadcast_in_dim3A_16 : vector<1024x1024xi1>, vector<1024x1024xf32>
    %reduce_sum3A_17 = arith.constant dense<0.000000e+00> : vector<1024xf32>
    %reduce_sum3A_18 = vector.multi_reduction <add>, %select_n3A, %reduce_sum3A_17 [0] : vector<1024x1024xf32> to vector<1024xf32>
    %squeeze3A = vector.shape_cast %log3A : vector<1x1024xf32> to vector<1024xf32>
    %mul3A = arith.constant 3.200000e+01 : f32
    %mul3A_19 = vector.broadcast %mul3A : f32 to vector<1024xf32>
    %mul3A_20 = arith.mulf %mul3A_19, %squeeze3A : vector<1024xf32>
    %sub3A = arith.subf %reduce_sum3A_18, %mul3A_20 : vector<1024xf32>
    %swap3A = arith.constant 0 : index
    %swap3A_21 = vector.load %arg4[%swap3A] : memref<1024xf32, #tpu.memory_space<vmem>>, vector<1024xf32>
    tpu.vector_store %arg4[%swap3A], %sub3A {strides = array<i32>} : memref<1024xf32, #tpu.memory_space<vmem>>, vector<1024xf32>,
    %convert_element_type3A = arith.extui %ge3A_15 : vector<1024x1024xi1> to vector<1024x1024xi32>
    %convert_element_type3A_22 = arith.sitofp %convert_element_type3A : vector<1024x1024xi32> to vector<1024x1024xf32>
    %transpose3A_23 = tpu.transpose %convert_element_type3A_22, [1, 0] : vector<1024x1024xf32> -> vector<1024x1024xf32>
    %swap3A_24 = arith.constant 0 : index
    %swap3A_25 = arith.constant 0 : index
    %swap3A_26 = arith.constant 0 : index
    %swap3A_27 = vector.load %arg2[%swap3A_24, %swap3A_25, %swap3A_26] : memref<1x1024x1024xf32, #tpu.memory_space<vmem>>, vector<1x1024x1024xf32>
    %swap3A_28 = vector.shape_cast %swap3A_27 : vector<1x1024x1024xf32> to vector<1024x1024xf32>
    %swap3A_29 = vector.shape_cast %transpose3A_23 : vector<1024x1024xf32> to vector<1x1024x1024xf32>
    tpu.vector_store %arg2[%swap3A_24, %swap3A_25, %swap3A_26], %swap3A_29 {strides = array<i32>} : memref<1x1024x1024xf32, #tpu.memory_space<vmem>>, vector<1x1024x1024xf32>,
    %reshape3A = vector.shape_cast %transpose3A_23 : vector<1024x1024xf32> to vector<1048576xf32>
    %swap3A_30 = arith.constant 0 : index
    %swap3A_31 = vector.load %arg3[%swap3A_30] : memref<1048576xf32, #tpu.memory_space<vmem>>, vector<1048576xf32>
    tpu.vector_store %arg3[%swap3A_30], %reshape3A {strides = array<i32>} : memref<1048576xf32, #tpu.memory_space<vmem>>, vector<1048576xf32>,
    return
  }
  func.func @transform_0(%arg0: i32) -> (i32, i32) {
    %c0_i32 = arith.constant 0 : i32
    %c0_i32_0 = arith.constant 0 : i32
    return %arg0, %c0_i32 : i32, i32
  }
  func.func @transform_1(%arg0: i32) -> (i32, i32, i32) {
    %jit3A = arith.constant 1 : i32
    %div3A = arith.divsi %arg0, %jit3A : i32
    %sign3A = arith.constant 0 : i32
    %sign3A_0 = arith.cmpi sgt, %arg0, %sign3A : i32
    %sign3A_1 = arith.extui %sign3A_0 : i1 to i32
    %sign3A_2 = arith.constant 0 : i32
    %sign3A_3 = arith.cmpi slt, %arg0, %sign3A_2 : i32
    %sign3A_4 = arith.extui %sign3A_3 : i1 to i32
    %sign3A_5 = arith.subi %sign3A_1, %sign3A_4 : i32
    %sign3A_6 = arith.constant 0 : i32
    %sign3A_7 = arith.cmpi sgt, %jit3A, %sign3A_6 : i32
    %sign3A_8 = arith.extui %sign3A_7 : i1 to i32
    %sign3A_9 = arith.constant 0 : i32
    %sign3A_10 = arith.cmpi slt, %jit3A, %sign3A_9 : i32
    %sign3A_11 = arith.extui %sign3A_10 : i1 to i32
    %sign3A_12 = arith.subi %sign3A_8, %sign3A_11 : i32
    %ne3A = arith.cmpi ne, %sign3A_5, %sign3A_12 : i32
    %rem3A = arith.remsi %arg0, %jit3A : i32
    %ne3A_13 = arith.constant 0 : i32
    %ne3A_14 = arith.cmpi ne, %rem3A, %ne3A_13 : i32
    %and3A = arith.andi %ne3A, %ne3A_14 : i1
    %sub3A = arith.constant 1 : i32
    %sub3A_15 = arith.subi %div3A, %sub3A : i32
    %select_n3A = arith.select %and3A, %sub3A_15, %div3A : i32
    %jit3A_16 = arith.constant 1 : i32
    %eq3A = arith.constant 0 : i32
    %eq3A_17 = arith.cmpi eq, %jit3A_16, %eq3A : i32
    %jit3A_18 = arith.constant 1 : i32
    %select_n3A_19 = arith.select %eq3A_17, %jit3A_18, %jit3A_16 : i32
    %rem3A_20 = arith.remsi %arg0, %select_n3A_19 : i32
    %ne3A_21 = arith.constant 0 : i32
    %ne3A_22 = arith.cmpi ne, %rem3A_20, %ne3A_21 : i32
    %lt3A = arith.constant 0 : i32
    %lt3A_23 = arith.cmpi slt, %rem3A_20, %lt3A : i32
    %lt3A_24 = arith.constant 0 : i32
    %lt3A_25 = arith.cmpi slt, %select_n3A_19, %lt3A_24 : i32
    %ne3A_26 = arith.xori %lt3A_23, %lt3A_25 : i1
    %and3A_27 = arith.andi %ne3A_26, %ne3A_22 : i1
    %add3A = arith.addi %rem3A_20, %select_n3A_19 : i32
    %select_n3A_28 = arith.select %and3A_27, %add3A, %rem3A_20 : i32
    %c0_i32 = arith.constant 0 : i32
    %c0_i32_29 = arith.constant 0 : i32
    return %select_n3A, %select_n3A_28, %c0_i32 : i32, i32, i32
  }
  func.func @transform_2(%arg0: i32) -> i32 {
    %c0_i32 = arith.constant 0 : i32
    return %arg0 : i32
  }
  func.func @transform_3(%arg0: i32) -> i32 {
    %c0_i32 = arith.constant 0 : i32
    return %arg0 : i32
  }
}

</mosaic_0001>

<sc_bundles>
// kernel: kernel.4.cloned.1.call-start
scs
__scs_entry_jumppad:
0x0: {  	(pc) =	sbr.rel $0x88, $3  }
0x1: {  	(tag) =	ssettag $0x0;
	lr =	simm.s32 $0x1  }
0x2: {  	[smem:$0x3FA0] =	sst lr;
	_ =	strace $0xD0000000  }
0x3: {  	_ = 	snop  }
0x4: {  	_ = 	snop  }
0x5: {  	_ = 	snop  }
0x6: {  	_ = 	snop  }
0x7: {  	_ = 	snop  }
__scs_overlays_trampoline_lowered:
0x8: {  	[smem:$0x3FAF] =	sst s0  }
0x9: {  	[smem:$0x3FB0] =	sst s1  }
0xa: {  	[smem:$0x3FB1] =	sst s2  }
0xb: {  	[smem:$0x3FB2] =	sst s3  }
0xc: {  	[smem:$0x3FB3] =	sst s4  }
0xd: {  	[smem:$0x3FB4] =	sst s5  }
0xe: {  	[smem:$0x3FB5] =	sst s6  }
0xf: {  	[smem:$0x3FB6] =	sst s7  }
0x10: {  	[smem:$0x3FB7] =	sst s8  }
0x11: {  	[smem:$0x3FB8] =	sst s9;
	s0 =	simm.s32 @!p0 $0x0  }
0x12: {  	s1 =	sld [smem:$0x3F9E];
	s0 =	simm.s32 @p0 $0x1  }
0x13: {  	[smem:$0x3FB9] =	sst s0;
	s0 =	simm.s32 @!p1 $0x0  }
0x14: {  	s2 =	sld [smem:$0x3F9D];
	s0 =	simm.s32 @p1 $0x1  }
0x15: {  	[smem:$0x3FBA] =	sst s0;
	s0 =	simm.s32 @!p2 $0x0  }
0x16: {  	s3 =	sld [smem:$0x3FDB];
	s0 =	simm.s32 @p2 $0x1  }
0x17: {  	s4 =	simm.s32 $0x1BF5;
	[smem:$0x3FBC] =	sst s0  }
0x18: {  	s0 =	sld [smem:$0x3F9F];
	_ =	swait.ge [sflag:s4], $0x0  }
0x19: {  	s7 =	sld [smem:$0x3FA0]  }
0x1a: {  	s8 =	sadd.s32 $0xFFFFE003, lr  }
0x1b: {  	s9 =	sadd.s32 $0xFFFFFEF7, lr;
	s5 =	simm.s32 $0xFFFFFFFF;
	p2 =	slt.u32 s8, $0xFFFFF086  }
0x1c: {  	p1 =	slt.u32 s9, $0xF7A;
	s5 =	simm.s32 @!p2 $0x0  }
0x1d: {  	s5 =	simm.s32 @p1 $0x1;
	p0 =	seq.s32 s7, s2  }
0x1e: {  	s7 =	smul.u32 @!p0 $0xF7A, s2;
	p2 =	seq.s32 @!p0 s5, $0x0  }
0x1f: {  	s9 =	smul.u32 $0xF7A, s1;
	s8 =	simm.s32 @!p0 $0x1BF5;
	p2 =	por !p2, p0  }
0x20: {  	[sflag:s8] =	ssyncset.s32 @!p0 $0xFFFFF086;
	s6 =	sadd.s32 @!p0 s3, s7;
	s7 =	simm.s32 @!p0 $0x108  }
0x21: {  	s3 =	sadd.s32 s3, s9;
	s6 =	sadd.s32 @!p0 $0x88, s6;
	s7 =	simm.s32 @p2 $0x1082  }
0x22: {  	[simem:s7], [sflag:s8] =	dma.local @!p0 [hbm:s6], $0xF7A  }
0x23: {  	s9 =	sor.u32 $0xD0000000, s2;
	s6 =	simm.s32 $0x108;
	_ =	swait.ge @!p0 [sflag:s8], $0x0  }
0x24: {  	s3 =	sadd.s32 $0x88, s3;
	s6 =	simm.s32 @!p1 $0x1082;
	[sflag:s4] =	ssyncset.s32 $0xFFFFF086  }
0x25: {  	[simem:s6], [sflag:s4] =	dma.local [hbm:s3], $0xF7A  }
0x26: {  	[smem:$0x3FA0] =	sst s1;
	(tag) =	ssettag s2;
	_ =	strace s9  }
0x27: {  	s1 =	sld [smem:$0x3FB0]  }
0x28: {  	s2 =	sld [smem:$0x3FB1]  }
0x29: {  	s4 =	sld [smem:$0x3FB3]  }
0x2a: {  	p0 =	seq.s32 s5, $0x0;
	s5 =	sld [smem:$0x3FB4]  }
0x2b: {  	s6 =	sld [smem:$0x3FB5]  }
0x2c: {  	s7 =	sld [smem:$0x3FB6]  }
0x2d: {  	s3 =	simm.s32 $0x108;
	s8 =	sld [smem:$0x3FB7]  }
0x2e: {  	s3 =	simm.s32 @!p0 $0x1082;
	s9 =	sld [smem:$0x3FB8]  }
0x2f: {  	lr =	sadd.s32 s0, s3;
	s0 =	sld [smem:$0x3FAF]  }
0x30: {  	s3 =	sld [smem:$0x3FB2]  }
0x31: {  	[smem:$0x3FBB] =	sst s10  }
0x32: {  	s10 =	sld [smem:$0x3FB9];
	_ =	sdelay $0x3  }
0x33: {  	p0 =	seq.s32 s10, $0x1;
	s10 =	sld [smem:$0x3FBB];
	_ =	sdelay $0x3  }
0x34: {  	[smem:$0x3FBB] =	sst s10  }
0x35: {  	s10 =	sld [smem:$0x3FBA];
	_ =	sdelay $0x3  }
0x36: {  	p1 =	seq.s32 s10, $0x1;
	s10 =	sld [smem:$0x3FBB];
	_ =	sdelay $0x3  }
0x37: {  	[smem:$0x3FBB] =	sst s10  }
0x38: {  	s10 =	sld [smem:$0x3FBC]  }
0x39: {  	_ = 	snop;
	(pc) =	sbr.ind lr, $3  }
0x3a: {  	_ = 	snop  }
0x3b: {  	_ = 	snop  }
0x3c: {  	p2 =	seq.s32 s10, $0x1;
	s10 =	sld [smem:$0x3FBB]  }
0x3d: {  	_ =	shalt  }
0x3e: {  	_ =	shalt  }
0x3f: {  	_ =	shalt  }
0x40: {  	_ =	shalt  }
0x41: {  	_ =	shalt  }
0x42: {  	_ =	shalt  }
0x43: {  	_ =	shalt  }
0x44: {  	_ =	shalt  }
0x45: {  	_ =	shalt  }
0x46: {  	_ =	shalt  }
0x47: {  	_ =	shalt  }
0x48: {  	_ =	shalt  }
0x49: {  	_ =	shalt  }
0x4a: {  	_ =	shalt  }
0x4b: {  	_ =	shalt  }
0x4c: {  	_ =	shalt  }
0x4d: {  	_ =	shalt  }
0x4e: {  	_ =	shalt  }
0x4f: {  	_ =	shalt  }
0x50: {  	_ =	shalt  }
0x51: {  	_ =	shalt  }
0x52: {  	_ =	shalt  }
0x53: {  	_ =	shalt  }
0x54: {  	_ =	shalt  }
0x55: {  	_ =	shalt  }
0x56: {  	_ =	shalt  }
0x57: {  	_ =	shalt  }
0x58: {  	_ =	shalt  }
0x59: {  	_ =	shalt  }
0x5a: {  	_ =	shalt  }
0x5b: {  	_ =	shalt  }
0x5c: {  	_ =	shalt  }
0x5d: {  	_ =	shalt  }
0x5e: {  	_ =	shalt  }
0x5f: {  	_ =	shalt  }
0x60: {  	_ =	shalt  }
0x61: {  	_ =	shalt  }
0x62: {  	_ =	shalt  }
0x63: {  	_ =	shalt  }
0x64: {  	_ =	shalt  }
0x65: {  	_ =	shalt  }
0x66: {  	_ =	shalt  }
0x67: {  	_ =	shalt  }
0x68: {  	_ =	shalt  }
0x69: {  	_ =	shalt  }
0x6a: {  	_ =	shalt  }
0x6b: {  	_ =	shalt  }
0x6c: {  	_ =	shalt  }
0x6d: {  	_ =	shalt  }
0x6e: {  	_ =	shalt  }
0x6f: {  	_ =	shalt  }
0x70: {  	_ =	shalt  }
0x71: {  	_ =	shalt  }
0x72: {  	_ =	shalt  }
0x73: {  	_ =	shalt  }
0x74: {  	_ =	shalt  }
0x75: {  	_ =	shalt  }
0x76: {  	_ =	shalt  }
0x77: {  	_ =	shalt  }
0x78: {  	_ =	shalt  }
0x79: {  	_ =	shalt  }
0x7a: {  	_ =	shalt  }
0x7b: {  	_ =	shalt  }
0x7c: {  	_ =	shalt  }
0x7d: {  	_ =	shalt  }
0x7e: {  	_ =	shalt  }
0x7f: {  	_ =	shalt  }
0x80: {  	_ =	shalt  }
0x81: {  	_ =	shalt  }
0x82: {  	_ =	shalt  }
0x83: {  	_ =	shalt  }
0x84: {  	_ =	shalt  }
0x85: {  	_ =	shalt  }
0x86: {  	_ =	shalt  }
0x87: {  	_ =	shalt  }
.Lfunc_end0:
.L_simem_size_0:
called_computation_lowered:
.L_overlay_start_0:
0x88: {  	s2 =	sld [smem:$0x3FD9]  }
0x89: {  	s3 =	sld [smem:$0x3FFE];
	_ =	sdelay $0x1  }
0x8a: {  	s1 =	srdreg.scid  }
0x8b: {  	s0 =	sand.u32 $0x1, s1  }
0x8c: {  	s15 =	sshll.u32 s0, $0xA;
	s2 =	sadd.s32 s3, s2  }
0x8d: {  	s2 =	sadd.s32 s2, s15  }
0x8e: {  	[smem:$0x3FC7] =	sst s2  }
0x8f: {  	_ = 	snop  }
0x90: {  	s2 =	sld [smem:$0x3FD0];
	_ =	sdelay $0x2  }
0x91: {  	s16 =	simm.s32 $0xA;
	s4 =	simm.s32 $0x10  }
0x92: {  	[smem:s4], [sflag:s16] =	dma.local [hbm:s2], $0x1  }
0x93: {  	_ =	swait.eq [sflag:s16], $0x1  }
0x94: {  	[sflag:s16] =	ssyncset.done $0x0  }
0x95: {  	[sflag:s16] =	ssyncadd.s32 $0xFFFFFFFF  }
0x96: {  	s17 =	sld [smem:$0x11];
	(tm) =	ssettm $0x1  }
0x97: {  	s18 =	sld [smem:$0x3FFB];
	_ =	sdelay $0x3  }
0x98: {  	_ =	strace s18  }
0x99: {  	s3 =	sld [smem:$0x3FFC];
	_ =	sdelay $0x3  }
0x9a: {  	_ =	strace s3  }
0x9b: {  	s3 =	sld [smem:$0x3FFD];
	_ =	sdelay $0x3  }
0x9c: {  	_ =	strace s3  }
0x9d: {  	_ =	strace $0x8FFFFFFF  }
0x9e: {  	s19 =	sld [smem:$0x3FDB];
	_ =	sdelay $0x1  }
0x9f: {  	s20 =	simm.s32 $_scs_section_size  }
0xa0: {  	s5 =	simm.s32 $_size__tile_overlayer_lowered;
	s6 =	simm.s32 $_tile_overlayer_lowered  }
0xa1: {  	s23 =	simm.s32 $0x1BFF;
	s22 =	sshll.u32 s6, $0x1;
	s3 =	sadd.s32 s20, s19  }
0xa2: {  	s7 =	simm.s32 $0x0;
	s21 =	sshll.u32 s5, $0x1;
	s5 =	sadd.s32 s22, s3  }
0xa3: {  	[timem:s7], [sflag:s23] =	dma.local [hbm:s5], s21  }
0xa4: {  	_ =	swait.ge [sflag:s23], s21  }
0xa5: {  	s4 =	ssub.s32 $0x0, s21;
	[sflag:s23] =	ssyncset.done $0x0  }
0xa6: {  	[sflag:s23] =	ssyncadd.s32 s4;
	_ =	sdelay $0x1  }
0xa7: {  	s24 =	simm.s32 $0x1B8B  }
0xa8: {  	_ =	swait.ge [sflag:s24], $0x1  }
0xa9: {  	[sflag:s24] =	ssyncset.done $0x0  }
0xaa: {  	s25 =	simm.s32 $0x1B8E;
	[sflag:s24] =	ssyncadd.s32 $0xFFFFFFFF  }
0xab: {  	s26 =	simm.s32 $execute0_lowered;
	[smem:$0x3FD2] =	sst s25  }
0xac: {  	s4 =	sshll.u32 s26, $0x1;
	_ =	strace $0x80000046;
	[dreg:$0x1] =	wrdreg $0xFFFFFFFF  }
0xad: {  	s28 =	simm.s32 $_size_execute0_lowered;
	s3 =	sadd.s32 s3, s4;
	[dreg:$0x0] =	wrdreg $0x0  }
0xae: {  	s4 =	sshll.u32 s28, $0x1;
	[dreg:$0x2] =	wrdreg s3  }
0xaf: {  	[dreg:$0x3] =	wrdreg s4  }
0xb0: {  	[dreg:$0x4] =	wrdreg $0xC0  }
0xb1: {  	_ =	task [dreg:s7], $0x5FFFF  }
0xb2: {  	[dreg:$0x1] =	wrdreg $0xFFFFFFFF  }
0xb3: {  	[dreg:$0x0] =	wrdreg $0x60  }
0xb4: {  	[dreg:$0x2] =	wrdreg s17  }
0xb5: {  	[dreg:$0x3] =	wrdreg $0x9  }
0xb6: {  	_ =	task.clear_ibuf [dreg:s7], $0x4FFFF;
	_ =	strace $0x90000046  }
0xb7: {  	s29 =	simm.s32 $0x9;
	_ =	strace $0x80000048  }
0xb8: {  	_ =	swait.ge [sflag:s29], $0x1  }
0xb9: {  	[sflag:s29] =	ssyncadd.s32 $0xFFFFFFFF  }
0xba: {  	_ =	strace $0x90000048  }
0xbb: {  	_ =	sfence  }
0xbc: {  	s30 =	sld [smem:$0x0];
	_ =	sdelay $0x2  }
0xbd: {  	s31 =	sshll.u32 s1, $0xD;
	s1 =	sshrl.u32 s1, $0x2  }
0xbe: {  	s3 =	sand.u32 $0x4000, s31;
	s1 =	sadd.s32 s1, s30  }
0xbf: {  	s0 =	sor.u32 s3, s0;
	s1 =	sshll.u32 s1, $0x11  }
0xc0: {  	s0 =	sor.u32 s1, s0  }
0xc1: {  	s0 =	sadd.s32 $0x8F2B, s0  }
0xc2: {  	[sflag:s0] =	ssyncadd.remote.s32 $0x1  }
0xc3: {  	_ =	sfence.sel $0xFFFF  }
0xc4: {  	[dreg:$0x0] =	wrdreg $0xFFFFFFFF;
	(pc) =	sbr.abs _section_cstart, $3  }
0xc5: {  	[dreg:$0x1] =	wrdreg $0xFFFFFFFF  }
0xc6: {  	_ =	task.clear_ibuf [dreg:s7], $0x2FFFF;
	_ =	strace $0x9FFFFFFF  }
0xc7: {  	(tm) =	ssettm $0x7FFFFFFF  }
tec
execute0_lowered:
.L_overlay_start_1:
0x0: {  	(tag) =	ssettag $0x1  }
0x1: {  	s1 =	rddreg [dreg:$0x0];
	s2 =	srdreg.scid  }
0x2: {  	s0 =	rddreg [dreg:$0x1];
	s3 =	simm.s32 $0x0;
	s4 =	sand.u32 $0x1, s2  }
0x3: {  	[smem:$0x7FF] =	sst s3;
	s2 =	stileid.u32;
	s6 =	ssub.s32 $0x2, s4  }
0x4: {  	_ =	strace $0x80000047;
	s5 =	sshll.u32 s2, $0x9;
	s7 =	sshrl.u32 s6, $0x1  }
0x5: {  	s4 =	sshll.u32 s4, $0x8;
	s7 =	ssub.s32 s6, s7;
	s6 =	sand.u32 $0x1C00, s5  }
0x6: {  	s4 =	sor.u32 s4, s5;
	s8 =	sor.u32 $0x10, s6;
	s9 =	sor.u32 $0x20, s6  }
0x7: {  	v0 =	vlaneseq.u32;
	s10 =	sor.u32 $0x30, s6;
	s11 =	sor.u32 $0x40, s6;
	s12 =	sor.u32 $0x50, s6  }
0x8: {  	s28 =	sor.u32 $0x60, s6;
	s13 =	sor.u32 $0x70, s6;
	s14 =	sor.u32 $0x80, s6;
	v22 =	vor.u32 s6, v0  }
0x9: {  	s29 =	sor.u32 $0x90, s6;
	s30 =	sor.u32 $0xA0, s6;
	s31 =	sor.u32 $0xB0, s6;
	v1 =	vor.u32 s8, v0;
	v2 =	vor.u32 s9, v0;
	v3 =	vor.u32 s11, v0  }
0xa: {  	s15 =	sor.u32 $0xE0, s6;
	s16 =	sor.u32 $0xF0, s6;
	s17 =	sor.u32 $0x100, s6;
	v4 =	vor.u32 s12, v0;
	v5 =	vor.u32 s28, v0;
	v6 =	vor.u32 s13, v0  }
0xb: {  	s18 =	sor.u32 $0x110, s6;
	s19 =	sor.u32 $0x120, s6;
	s20 =	sor.u32 $0x130, s6;
	v7 =	vor.u32 s14, v0;
	v8 =	vor.u32 s29, v0;
	v9 =	vor.u32 s30, v0  }
0xc: {  	s21 =	sor.u32 $0x140, s6;
	s22 =	sor.u32 $0x150, s6;
	s23 =	sor.u32 $0x160, s6;
	v10 =	vor.u32 s31, v0;
	v13 =	vor.u32 s15, v0;
	v14 =	vor.u32 s16, v0  }
0xd: {  	s24 =	sor.u32 $0x170, s6;
	s25 =	sor.u32 $0x180, s6;
	s26 =	sor.u32 $0x190, s6;
	v15 =	vor.u32 s17, v0;
	v16 =	vor.u32 s18, v0;
	v17 =	vor.u32 s19, v0  }
0xe: {  	s7 =	smax.u32 s7, $0x1;
	s12 =	sor.u32 $0xC0, s6;
	s13 =	sor.u32 $0xD0, s6;
	v18 =	vor.u32 s20, v0;
	v19 =	vor.u32 s21, v0;
	v20 =	vor.u32 s22, v0  }
0xf: {  	s28 =	sor.u32 $0x1A0, s6;
	v21 =	vor.u32 s23, v0;
	s29 =	sor.u32 $0x1B0, s6;
	s30 =	sor.u32 $0x1C0, s6;
	v23 =	vor.u32 s24, v0;
	v24 =	vor.u32 s25, v0  }
0x10: {  	s31 =	sor.u32 $0x1D0, s6;
	s15 =	sor.u32 $0x200, s5;
	v25 =	vor.u32 s26, v0;
	s16 =	sor.u32 $0x210, s5;
	[tilespmem:$0x1FFE0] =	vst v2;
	v2 =	vor.u32 s10, v0;
	v11 =	vor.u32 s12, v0  }
0x11: {  	s17 =	sor.u32 $0x220, s5;
	s18 =	sor.u32 $0x230, s5;
	s19 =	sor.u32 $0x240, s5;
	v12 =	vor.u32 s13, v0;
	v26 =	vor.u32 s28, v0;
	v27 =	vor.u32 s29, v0  }
0x12: {  	s20 =	sor.u32 $0x250, s5;
	s21 =	sor.u32 $0x260, s5;
	s22 =	sor.u32 $0x270, s5;
	v28 =	vor.u32 s30, v0;
	v29 =	vor.u32 s31, v0;
	v32 =	vor.u32 s15, v0  }
0x13: {  	s23 =	sor.u32 $0x280, s5;
	s24 =	sor.u32 $0x290, s5;
	s25 =	sor.u32 $0x2A0, s5;
	v33 =	vor.u32 s16, v0;
	v34 =	vor.u32 s17, v0;
	v35 =	vor.u32 s18, v0  }
0x14: {  	s26 =	sor.u32 $0x2B0, s5;
	s8 =	simm.s32 $0x80;
	s9 =	simm.s32 $0x100;
	v36 =	vor.u32 s19, v0;
	v37 =	vor.u32 s20, v0;
	v38 =	vor.u32 s21, v0  }
0x15: {  	s11 =	simm.s32 $0x4000;
	s13 =	sor.u32 $0x1E0, s6;
	s6 =	sor.u32 $0x1F0, s6;
	v39 =	vor.u32 s22, v0;
	v40 =	vor.u32 s23, v0;
	v41 =	vor.u32 s24, v0  }
0x16: {  	s28 =	sor.u32 $0x2C0, s5;
	s29 =	sor.u32 $0x2D0, s5;
	s30 =	sor.u32 $0x2E0, s5;
	v42 =	vor.u32 s25, v0;
	v43 =	vor.u32 s26, v0;
	v30 =	vor.u32 s13, v0  }
0x17: {  	s31 =	sor.u32 $0x2F0, s5;
	s15 =	sor.u32 $0x300, s5;
	s16 =	sor.u32 $0x310, s5;
	v31 =	vor.u32 s6, v0;
	v44 =	vor.u32 s28, v0;
	v45 =	vor.u32 s29, v0  }
0x18: {  	s17 =	sor.u32 $0x320, s5;
	s18 =	sor.u32 $0x330, s5;
	s19 =	sor.u32 $0x340, s5;
	v46 =	vor.u32 s30, v0;
	v47 =	vor.u32 s31, v0;
	v48 =	vor.u32 s15, v0  }
0x19: {  	s20 =	sor.u32 $0x350, s5;
	s21 =	sor.u32 $0x360, s5;
	s22 =	sor.u32 $0x370, s5;
	v49 =	vor.u32 s16, v0;
	v50 =	vor.u32 s17, v0;
	v51 =	vor.u32 s18, v0  }
0x1a: {  	s23 =	sor.u32 $0x380, s5;
	s24 =	sor.u32 $0x390, s5;
	s25 =	sor.u32 $0x3A0, s5;
	v52 =	vor.u32 s19, v0;
	v53 =	vor.u32 s20, v0;
	v54 =	vor.u32 s21, v0  }
0x1b: {  	s26 =	sor.u32 $0x3B0, s5;
	s10 =	simm.s32 $0x1;
	s28 =	sor.u32 $0x3C0, s5;
	v55 =	vor.u32 s22, v0;
	v56 =	vor.u32 s23, v0;
	v57 =	vor.u32 s24, v0  }
0x1c: {  	s29 =	sor.u32 $0x3D0, s5;
	s30 =	sor.u32 $0x3E0, s5;
	s31 =	sor.u32 $0x3F0, s5;
	v58 =	vor.u32 s25, v0;
	v59 =	vor.u32 s26, v0;
	v60 =	vor.u32 s28, v0  }
0x1d: {  	s12 =	simm.s32 $0x0;
	[tilespmem:$0x1FFF0] =	vst v1;
	s5 =	sshll.u32 s4, $0x8;
	s6 =	sadd.s32 $0x10, s1;
	v61 =	vor.u32 s29, v0;
	v62 =	vor.u32 s30, v0;
	v63 =	vor.u32 s31, v0  }
.LBB2_1:
0x1e: {  	v0 =	vld [tilespmem:$0x1FFE0]  }
0x1f: {  	s14 =	simm.s32 $0x0;
	s13 =	simm.s32 $0x1000  }
.LBB2_2:
0x20: {  	p0 =	sne.s32 s13, $0xF000;
	[tilespmem:s14+$0x43F0] =	vst v63  }
0x21: {  	[tilespmem:s14+$0x4000] =	vst v22  }
0x22: {  	[tilespmem:s14+$0x4010] =	vst v1  }
0x23: {  	[tilespmem:s14+$0x4020] =	vst v0  }
0x24: {  	[tilespmem:s14+$0x4030] =	vst v2  }
0x25: {  	[tilespmem:s14+$0x4040] =	vst v3  }
0x26: {  	[tilespmem:s14+$0x4050] =	vst v4  }
0x27: {  	[tilespmem:s14+$0x4060] =	vst v5  }
0x28: {  	[tilespmem:s14+$0x4070] =	vst v6  }
0x29: {  	[tilespmem:s14+$0x4080] =	vst v7  }
0x2a: {  	[tilespmem:s14+$0x4090] =	vst v8  }
0x2b: {  	[tilespmem:s14+$0x40A0] =	vst v9  }
0x2c: {  	[tilespmem:s14+$0x40B0] =	vst v10  }
0x2d: {  	[tilespmem:s14+$0x40C0] =	vst v11  }
0x2e: {  	[tilespmem:s14+$0x40D0] =	vst v12  }
0x2f: {  	[tilespmem:s14+$0x40E0] =	vst v13  }
0x30: {  	[tilespmem:s14+$0x40F0] =	vst v14  }
0x31: {  	[tilespmem:s14+$0x4100] =	vst v15  }
0x32: {  	[tilespmem:s14+$0x4110] =	vst v16  }
0x33: {  	[tilespmem:s14+$0x4120] =	vst v17  }
0x34: {  	[tilespmem:s14+$0x4130] =	vst v18  }
0x35: {  	[tilespmem:s14+$0x4140] =	vst v19  }
0x36: {  	[tilespmem:s14+$0x4150] =	vst v20  }
0x37: {  	[tilespmem:s14+$0x4160] =	vst v21  }
0x38: {  	[tilespmem:s14+$0x4170] =	vst v23  }
0x39: {  	[tilespmem:s14+$0x4180] =	vst v24  }
0x3a: {  	[tilespmem:s14+$0x4190] =	vst v25  }
0x3b: {  	[tilespmem:s14+$0x41A0] =	vst v26  }
0x3c: {  	[tilespmem:s14+$0x41B0] =	vst v27  }
0x3d: {  	[tilespmem:s14+$0x41C0] =	vst v28  }
0x3e: {  	[tilespmem:s14+$0x41D0] =	vst v29  }
0x3f: {  	[tilespmem:s14+$0x41E0] =	vst v30  }
0x40: {  	[tilespmem:s14+$0x41F0] =	vst v31  }
0x41: {  	[tilespmem:s14+$0x4200] =	vst v32  }
0x42: {  	[tilespmem:s14+$0x4210] =	vst v33  }
0x43: {  	[tilespmem:s14+$0x4220] =	vst v34  }
0x44: {  	[tilespmem:s14+$0x4230] =	vst v35  }
0x45: {  	[tilespmem:s14+$0x4240] =	vst v36  }
0x46: {  	[tilespmem:s14+$0x4250] =	vst v37  }
0x47: {  	[tilespmem:s14+$0x4260] =	vst v38  }
0x48: {  	[tilespmem:s14+$0x4270] =	vst v39  }
0x49: {  	[tilespmem:s14+$0x4280] =	vst v40  }
0x4a: {  	[tilespmem:s14+$0x4290] =	vst v41  }
0x4b: {  	[tilespmem:s14+$0x42A0] =	vst v42  }
0x4c: {  	[tilespmem:s14+$0x42B0] =	vst v43  }
0x4d: {  	[tilespmem:s14+$0x42C0] =	vst v44  }
0x4e: {  	[tilespmem:s14+$0x42D0] =	vst v45  }
0x4f: {  	[tilespmem:s14+$0x42E0] =	vst v46  }
0x50: {  	[tilespmem:s14+$0x42F0] =	vst v47  }
0x51: {  	[tilespmem:s14+$0x4300] =	vst v48  }
0x52: {  	[tilespmem:s14+$0x4310] =	vst v49  }
0x53: {  	[tilespmem:s14+$0x4320] =	vst v50  }
0x54: {  	[tilespmem:s14+$0x4330] =	vst v51  }
0x55: {  	[tilespmem:s14+$0x4340] =	vst v52  }
0x56: {  	[tilespmem:s14+$0x4350] =	vst v53  }
0x57: {  	[tilespmem:s14+$0x4360] =	vst v54  }
0x58: {  	[tilespmem:s14+$0x4370] =	vst v55  }
0x59: {  	[tilespmem:s14+$0x4380] =	vst v56  }
0x5a: {  	[tilespmem:s14+$0x4390] =	vst v57  }
.Ltmp0:
0x5b: {  	[tilespmem:s14+$0x43A0] =	vst v58;
	(pc) =	sbr.rel @p0 .LBB2_2-.Ltmp0, $4  }
0x5c: {  	[tilespmem:s14+$0x43B0] =	vst v59  }
0x5d: {  	[tilespmem:s14+$0x43C0] =	vst v60  }
0x5e: {  	[tilespmem:s14+$0x43D0] =	vst v61  }
0x5f: {  	[tilespmem:s14+$0x43E0] =	vst v62;
	s14 =	sshra.s32 s13, $0x2;
	s13 =	sadd.s32 $0x1000, s13  }
0x60: {  	[tilespmem:s14+$0x43F0] =	vst v63  }
0x61: {  	[tilespmem:s14+$0x4000] =	vst v22  }
0x62: {  	[tilespmem:s14+$0x4010] =	vst v1  }
0x63: {  	[tilespmem:s14+$0x4020] =	vst v0  }
0x64: {  	[tilespmem:s14+$0x4030] =	vst v2  }
0x65: {  	[tilespmem:s14+$0x4040] =	vst v3  }
0x66: {  	[tilespmem:s14+$0x4050] =	vst v4  }
0x67: {  	[tilespmem:s14+$0x4060] =	vst v5  }
0x68: {  	[tilespmem:s14+$0x4070] =	vst v6  }
0x69: {  	[tilespmem:s14+$0x4080] =	vst v7  }
0x6a: {  	[tilespmem:s14+$0x4090] =	vst v8  }
0x6b: {  	[tilespmem:s14+$0x40A0] =	vst v9  }
0x6c: {  	[tilespmem:s14+$0x40B0] =	vst v10  }
0x6d: {  	[tilespmem:s14+$0x40C0] =	vst v11  }
0x6e: {  	[tilespmem:s14+$0x40D0] =	vst v12  }
0x6f: {  	[tilespmem:s14+$0x40E0] =	vst v13  }
0x70: {  	[tilespmem:s14+$0x40F0] =	vst v14  }
0x71: {  	[tilespmem:s14+$0x4100] =	vst v15  }
0x72: {  	[tilespmem:s14+$0x4110] =	vst v16  }
0x73: {  	[tilespmem:s14+$0x4120] =	vst v17  }
0x74: {  	[tilespmem:s14+$0x4130] =	vst v18  }
0x75: {  	[tilespmem:s14+$0x4140] =	vst v19  }
0x76: {  	[tilespmem:s14+$0x4150] =	vst v20  }
0x77: {  	[tilespmem:s14+$0x4160] =	vst v21  }
0x78: {  	[tilespmem:s14+$0x4170] =	vst v23  }
0x79: {  	[tilespmem:s14+$0x4180] =	vst v24  }
0x7a: {  	[tilespmem:s14+$0x4190] =	vst v25  }
0x7b: {  	[tilespmem:s14+$0x41A0] =	vst v26  }
0x7c: {  	[tilespmem:s14+$0x41B0] =	vst v27  }
0x7d: {  	[tilespmem:s14+$0x41C0] =	vst v28  }
0x7e: {  	[tilespmem:s14+$0x41D0] =	vst v29  }
0x7f: {  	[tilespmem:s14+$0x41E0] =	vst v30  }
0x80: {  	[tilespmem:s14+$0x41F0] =	vst v31  }
0x81: {  	[tilespmem:s14+$0x4200] =	vst v32  }
0x82: {  	[tilespmem:s14+$0x4210] =	vst v33  }
0x83: {  	[tilespmem:s14+$0x4220] =	vst v34  }
0x84: {  	[tilespmem:s14+$0x4230] =	vst v35  }
0x85: {  	[tilespmem:s14+$0x4240] =	vst v36  }
0x86: {  	[tilespmem:s14+$0x4250] =	vst v37  }
0x87: {  	[tilespmem:s14+$0x4260] =	vst v38  }
0x88: {  	[tilespmem:s14+$0x4270] =	vst v39  }
0x89: {  	[tilespmem:s14+$0x4280] =	vst v40  }
0x8a: {  	[tilespmem:s14+$0x4290] =	vst v41  }
0x8b: {  	[tilespmem:s14+$0x42A0] =	vst v42  }
0x8c: {  	[tilespmem:s14+$0x42B0] =	vst v43  }
0x8d: {  	[tilespmem:s14+$0x42C0] =	vst v44  }
0x8e: {  	[tilespmem:s14+$0x42D0] =	vst v45  }
0x8f: {  	[tilespmem:s14+$0x42E0] =	vst v46  }
0x90: {  	[tilespmem:s14+$0x42F0] =	vst v47  }
0x91: {  	[tilespmem:s14+$0x4300] =	vst v48  }
0x92: {  	[tilespmem:s14+$0x4310] =	vst v49  }
0x93: {  	[tilespmem:s14+$0x4320] =	vst v50  }
0x94: {  	[tilespmem:s14+$0x4330] =	vst v51  }
0x95: {  	[tilespmem:s14+$0x4340] =	vst v52  }
0x96: {  	[tilespmem:s14+$0x4350] =	vst v53  }
0x97: {  	[tilespmem:s14+$0x4360] =	vst v54  }
0x98: {  	[tilespmem:s14+$0x4370] =	vst v55  }
0x99: {  	[tilespmem:s14+$0x4380] =	vst v56  }
0x9a: {  	[tilespmem:s14+$0x4390] =	vst v57  }
0x9b: {  	[tilespmem:s14+$0x43A0] =	vst v58  }
0x9c: {  	[tilespmem:s14+$0x43B0] =	vst v59  }
0x9d: {  	[tilespmem:s14+$0x43C0] =	vst v60  }
0x9e: {  	[tilespmem:s14+$0x43D0] =	vst v61  }
0x9f: {  	s13 =	simm.s32 $0x0;
	[tilespmem:s14+$0x43E0] =	vst v62;
	s14 =	smov.u32 s4  }
.LBB2_4:
0xa0: {  	s16 =	sadd.s32 $0x0, s14  }
0xa1: {  	s15 =	simm.s32 $0x200;
	v0 =	vmov s16  }
0xa2: {  	[tilespmem:s15+$0x1F0] =	vst v0  }
0xa3: {  	[tilespmem:s15+$0xFFFFFE00] =	vst v0  }
0xa4: {  	[tilespmem:s15+$0xFFFFFE10] =	vst v0  }
0xa5: {  	[tilespmem:s15+$0xFFFFFE20] =	vst v0  }
0xa6: {  	[tilespmem:s15+$0xFFFFFE30] =	vst v0  }
0xa7: {  	[tilespmem:s15+$0xFFFFFE40] =	vst v0  }
0xa8: {  	[tilespmem:s15+$0xFFFFFE50] =	vst v0  }
0xa9: {  	[tilespmem:s15+$0xFFFFFE60] =	vst v0  }
0xaa: {  	[tilespmem:s15+$0xFFFFFE70] =	vst v0  }
0xab: {  	[tilespmem:s15+$0xFFFFFE80] =	vst v0  }
0xac: {  	[tilespmem:s15+$0xFFFFFE90] =	vst v0  }
0xad: {  	[tilespmem:s15+$0xFFFFFEA0] =	vst v0  }
0xae: {  	[tilespmem:s15+$0xFFFFFEB0] =	vst v0  }
0xaf: {  	[tilespmem:s15+$0xFFFFFEC0] =	vst v0  }
0xb0: {  	[tilespmem:s15+$0xFFFFFED0] =	vst v0  }
0xb1: {  	[tilespmem:s15+$0xFFFFFEE0] =	vst v0  }
0xb2: {  	[tilespmem:s15+$0xFFFFFEF0] =	vst v0  }
0xb3: {  	[tilespmem:s15+$0xFFFFFF00] =	vst v0  }
0xb4: {  	[tilespmem:s15+$0xFFFFFF10] =	vst v0  }
0xb5: {  	[tilespmem:s15+$0xFFFFFF20] =	vst v0  }
0xb6: {  	[tilespmem:s15+$0xFFFFFF30] =	vst v0  }
0xb7: {  	[tilespmem:s15+$0xFFFFFF40] =	vst v0  }
0xb8: {  	[tilespmem:s15+$0xFFFFFF50] =	vst v0  }
0xb9: {  	[tilespmem:s15+$0xFFFFFF60] =	vst v0  }
0xba: {  	[tilespmem:s15+$0xFFFFFF70] =	vst v0  }
0xbb: {  	[tilespmem:s15+$0xFFFFFF80] =	vst v0  }
0xbc: {  	[tilespmem:s15+$0xFFFFFF90] =	vst v0  }
0xbd: {  	[tilespmem:s15+$0xFFFFFFA0] =	vst v0  }
0xbe: {  	[tilespmem:s15+$0xFFFFFFB0] =	vst v0  }
0xbf: {  	[tilespmem:s15+$0xFFFFFFC0] =	vst v0  }
0xc0: {  	[tilespmem:s15+$0xFFFFFFD0] =	vst v0  }
0xc1: {  	[tilespmem:s15+$0xFFFFFFE0] =	vst v0  }
0xc2: {  	[tilespmem:s15+$0xFFFFFFF0] =	vst v0  }
0xc3: {  	[tilespmem:s15+$0x0] =	vst v0  }
0xc4: {  	[tilespmem:s15+$0x10] =	vst v0  }
0xc5: {  	[tilespmem:s15+$0x20] =	vst v0  }
0xc6: {  	[tilespmem:s15+$0x30] =	vst v0  }
0xc7: {  	[tilespmem:s15+$0x40] =	vst v0  }
0xc8: {  	[tilespmem:s15+$0x50] =	vst v0  }
0xc9: {  	[tilespmem:s15+$0x60] =	vst v0  }
0xca: {  	[tilespmem:s15+$0x70] =	vst v0  }
0xcb: {  	[tilespmem:s15+$0x80] =	vst v0  }
0xcc: {  	[tilespmem:s15+$0x90] =	vst v0  }
0xcd: {  	[tilespmem:s15+$0xA0] =	vst v0  }
0xce: {  	[tilespmem:s15+$0xB0] =	vst v0  }
0xcf: {  	[tilespmem:s15+$0xC0] =	vst v0  }
0xd0: {  	[tilespmem:s15+$0xD0] =	vst v0  }
0xd1: {  	[tilespmem:s15+$0xE0] =	vst v0  }
0xd2: {  	[tilespmem:s15+$0xF0] =	vst v0  }
0xd3: {  	[tilespmem:s15+$0x100] =	vst v0  }
0xd4: {  	[tilespmem:s15+$0x110] =	vst v0  }
0xd5: {  	[tilespmem:s15+$0x120] =	vst v0  }
0xd6: {  	[tilespmem:s15+$0x130] =	vst v0  }
0xd7: {  	[tilespmem:s15+$0x140] =	vst v0  }
0xd8: {  	[tilespmem:s15+$0x150] =	vst v0  }
0xd9: {  	[tilespmem:s15+$0x160] =	vst v0  }
0xda: {  	[tilespmem:s15+$0x170] =	vst v0  }
0xdb: {  	[tilespmem:s15+$0x180] =	vst v0  }
0xdc: {  	[tilespmem:s15+$0x190] =	vst v0  }
0xdd: {  	[tilespmem:s15+$0x1A0] =	vst v0  }
0xde: {  	[tilespmem:s15+$0x1B0] =	vst v0  }
0xdf: {  	[tilespmem:s15+$0x1C0] =	vst v0  }
0xe0: {  	s17 =	sadd.s32 $0x1, s14;
	s16 =	simm.s32 $0x2;
	[tilespmem:s15+$0x1D0] =	vst v0  }
.LBB2_5:
0xe1: {  	p0 =	sne.s32 s16, $0xF;
	[tilespmem:s15+$0x1E0] =	vst v0;
	v0 =	vmov s17;
	s15 =	sadd.s32 $0x400, s15  }
0xe2: {  	[tilespmem:s15+$0x1F0] =	vst v0  }
0xe3: {  	[tilespmem:s15+$0xFFFFFE00] =	vst v0  }
0xe4: {  	[tilespmem:s15+$0xFFFFFE10] =	vst v0  }
0xe5: {  	[tilespmem:s15+$0xFFFFFE20] =	vst v0  }
0xe6: {  	[tilespmem:s15+$0xFFFFFE30] =	vst v0  }
0xe7: {  	[tilespmem:s15+$0xFFFFFE40] =	vst v0  }
0xe8: {  	[tilespmem:s15+$0xFFFFFE50] =	vst v0  }
0xe9: {  	[tilespmem:s15+$0xFFFFFE60] =	vst v0  }
0xea: {  	[tilespmem:s15+$0xFFFFFE70] =	vst v0  }
0xeb: {  	[tilespmem:s15+$0xFFFFFE80] =	vst v0  }
0xec: {  	[tilespmem:s15+$0xFFFFFE90] =	vst v0  }
0xed: {  	[tilespmem:s15+$0xFFFFFEA0] =	vst v0  }
0xee: {  	[tilespmem:s15+$0xFFFFFEB0] =	vst v0  }
0xef: {  	[tilespmem:s15+$0xFFFFFEC0] =	vst v0  }
0xf0: {  	[tilespmem:s15+$0xFFFFFED0] =	vst v0  }
0xf1: {  	[tilespmem:s15+$0xFFFFFEE0] =	vst v0  }
0xf2: {  	[tilespmem:s15+$0xFFFFFEF0] =	vst v0  }
0xf3: {  	[tilespmem:s15+$0xFFFFFF00] =	vst v0  }
0xf4: {  	[tilespmem:s15+$0xFFFFFF10] =	vst v0  }
0xf5: {  	[tilespmem:s15+$0xFFFFFF20] =	vst v0  }
0xf6: {  	[tilespmem:s15+$0xFFFFFF30] =	vst v0  }
0xf7: {  	[tilespmem:s15+$0xFFFFFF40] =	vst v0  }
0xf8: {  	[tilespmem:s15+$0xFFFFFF50] =	vst v0  }
0xf9: {  	[tilespmem:s15+$0xFFFFFF60] =	vst v0  }
0xfa: {  	[tilespmem:s15+$0xFFFFFF70] =	vst v0  }
0xfb: {  	[tilespmem:s15+$0xFFFFFF80] =	vst v0  }
0xfc: {  	[tilespmem:s15+$0xFFFFFF90] =	vst v0  }
0xfd: {  	[tilespmem:s15+$0xFFFFFFA0] =	vst v0  }
0xfe: {  	[tilespmem:s15+$0xFFFFFFB0] =	vst v0  }
0xff: {  	[tilespmem:s15+$0xFFFFFFC0] =	vst v0  }
0x100: {  	[tilespmem:s15+$0xFFFFFFD0] =	vst v0  }
0x101: {  	[tilespmem:s15+$0xFFFFFFE0] =	vst v0  }
0x102: {  	[tilespmem:s15+$0xFFFFFFF0] =	vst v0  }
0x103: {  	[tilespmem:s15+$0x0] =	vst v0  }
0x104: {  	[tilespmem:s15+$0x10] =	vst v0  }
0x105: {  	[tilespmem:s15+$0x20] =	vst v0  }
0x106: {  	[tilespmem:s15+$0x30] =	vst v0  }
0x107: {  	[tilespmem:s15+$0x40] =	vst v0  }
0x108: {  	[tilespmem:s15+$0x50] =	vst v0  }
0x109: {  	[tilespmem:s15+$0x60] =	vst v0  }
0x10a: {  	[tilespmem:s15+$0x70] =	vst v0  }
0x10b: {  	[tilespmem:s15+$0x80] =	vst v0  }
0x10c: {  	[tilespmem:s15+$0x90] =	vst v0  }
0x10d: {  	[tilespmem:s15+$0xA0] =	vst v0  }
0x10e: {  	[tilespmem:s15+$0xB0] =	vst v0  }
0x10f: {  	[tilespmem:s15+$0xC0] =	vst v0  }
0x110: {  	[tilespmem:s15+$0xD0] =	vst v0  }
0x111: {  	[tilespmem:s15+$0xE0] =	vst v0  }
0x112: {  	[tilespmem:s15+$0xF0] =	vst v0  }
0x113: {  	[tilespmem:s15+$0x100] =	vst v0  }
0x114: {  	[tilespmem:s15+$0x110] =	vst v0  }
0x115: {  	[tilespmem:s15+$0x120] =	vst v0  }
0x116: {  	[tilespmem:s15+$0x130] =	vst v0  }
0x117: {  	[tilespmem:s15+$0x140] =	vst v0  }
0x118: {  	[tilespmem:s15+$0x150] =	vst v0  }
0x119: {  	[tilespmem:s15+$0x160] =	vst v0  }
0x11a: {  	[tilespmem:s15+$0x170] =	vst v0  }
0x11b: {  	[tilespmem:s15+$0x180] =	vst v0  }
.Ltmp1:
0x11c: {  	[tilespmem:s15+$0x190] =	vst v0;
	(pc) =	sbr.rel @p0 .LBB2_5-.Ltmp1, $4  }
0x11d: {  	[tilespmem:s15+$0x1A0] =	vst v0  }
0x11e: {  	[tilespmem:s15+$0x1B0] =	vst v0  }
0x11f: {  	[tilespmem:s15+$0x1C0] =	vst v0  }
0x120: {  	s17 =	sadd.s32 s16, s14;
	s16 =	sadd.s32 $0x1, s16;
	[tilespmem:s15+$0x1D0] =	vst v0  }
0x121: {  	v1 =	vmov s17;
	[tilespmem:s15+$0x1E0] =	vst v0;
	s29 =	sadd.s32 $0x400, s15  }
0x122: {  	[tilespmem:s29+$0x1F0] =	vst v1  }
0x123: {  	[tilespmem:s29+$0xFFFFFE00] =	vst v1  }
0x124: {  	[tilespmem:s29+$0xFFFFFE10] =	vst v1  }
0x125: {  	[tilespmem:s29+$0xFFFFFE20] =	vst v1  }
0x126: {  	[tilespmem:s29+$0xFFFFFE30] =	vst v1  }
0x127: {  	[tilespmem:s29+$0xFFFFFE40] =	vst v1  }
0x128: {  	[tilespmem:s29+$0xFFFFFE50] =	vst v1  }
0x129: {  	[tilespmem:s29+$0xFFFFFE60] =	vst v1  }
0x12a: {  	[tilespmem:s29+$0xFFFFFE70] =	vst v1  }
0x12b: {  	[tilespmem:s29+$0xFFFFFE80] =	vst v1  }
0x12c: {  	[tilespmem:s29+$0xFFFFFE90] =	vst v1  }
0x12d: {  	[tilespmem:s29+$0xFFFFFEA0] =	vst v1  }
0x12e: {  	[tilespmem:s29+$0xFFFFFEB0] =	vst v1  }
0x12f: {  	[tilespmem:s29+$0xFFFFFEC0] =	vst v1  }
0x130: {  	[tilespmem:s29+$0xFFFFFED0] =	vst v1  }
0x131: {  	[tilespmem:s29+$0xFFFFFEE0] =	vst v1  }
0x132: {  	[tilespmem:s29+$0xFFFFFEF0] =	vst v1  }
0x133: {  	[tilespmem:s29+$0xFFFFFF00] =	vst v1  }
0x134: {  	[tilespmem:s29+$0xFFFFFF10] =	vst v1  }
0x135: {  	[tilespmem:s29+$0xFFFFFF20] =	vst v1  }
0x136: {  	[tilespmem:s29+$0xFFFFFF30] =	vst v1  }
0x137: {  	[tilespmem:s29+$0xFFFFFF40] =	vst v1  }
0x138: {  	[tilespmem:s29+$0xFFFFFF50] =	vst v1  }
0x139: {  	[tilespmem:s29+$0xFFFFFF60] =	vst v1  }
0x13a: {  	[tilespmem:s29+$0xFFFFFF70] =	vst v1  }
0x13b: {  	[tilespmem:s29+$0xFFFFFF80] =	vst v1  }
0x13c: {  	[tilespmem:s29+$0xFFFFFF90] =	vst v1  }
0x13d: {  	[tilespmem:s29+$0xFFFFFFA0] =	vst v1  }
0x13e: {  	[tilespmem:s29+$0xFFFFFFB0] =	vst v1  }
0x13f: {  	[tilespmem:s29+$0xFFFFFFC0] =	vst v1  }
0x140: {  	[tilespmem:s29+$0xFFFFFFD0] =	vst v1  }
0x141: {  	[tilespmem:s29+$0xFFFFFFE0] =	vst v1  }
0x142: {  	[tilespmem:s29+$0xFFFFFFF0] =	vst v1  }
0x143: {  	[tilespmem:s29+$0x0] =	vst v1  }
0x144: {  	[tilespmem:s29+$0x10] =	vst v1  }
0x145: {  	[tilespmem:s29+$0x20] =	vst v1  }
0x146: {  	[tilespmem:s29+$0x30] =	vst v1  }
0x147: {  	[tilespmem:s29+$0x40] =	vst v1  }
0x148: {  	[tilespmem:s29+$0x50] =	vst v1  }
0x149: {  	[tilespmem:s29+$0x60] =	vst v1  }
0x14a: {  	[tilespmem:s29+$0x70] =	vst v1  }
0x14b: {  	[tilespmem:s29+$0x80] =	vst v1  }
0x14c: {  	[tilespmem:s29+$0x90] =	vst v1  }
0x14d: {  	[tilespmem:s29+$0xA0] =	vst v1  }
0x14e: {  	[tilespmem:s29+$0xB0] =	vst v1  }
0x14f: {  	[tilespmem:s29+$0xC0] =	vst v1  }
0x150: {  	[tilespmem:s29+$0xD0] =	vst v1  }
0x151: {  	[tilespmem:s29+$0xE0] =	vst v1  }
0x152: {  	[tilespmem:s29+$0xF0] =	vst v1  }
0x153: {  	[tilespmem:s29+$0x100] =	vst v1  }
0x154: {  	[tilespmem:s29+$0x110] =	vst v1  }
0x155: {  	[tilespmem:s29+$0x120] =	vst v1  }
0x156: {  	[tilespmem:s29+$0x130] =	vst v1  }
0x157: {  	[tilespmem:s29+$0x140] =	vst v1  }
0x158: {  	[tilespmem:s29+$0x150] =	vst v1  }
0x159: {  	[tilespmem:s29+$0x160] =	vst v1  }
0x15a: {  	[tilespmem:s29+$0x170] =	vst v1  }
0x15b: {  	[tilespmem:s29+$0x180] =	vst v1  }
0x15c: {  	[tilespmem:s29+$0x190] =	vst v1  }
0x15d: {  	[tilespmem:s29+$0x1A0] =	vst v1  }
0x15e: {  	[tilespmem:s29+$0x1B0] =	vst v1  }
0x15f: {  	s16 =	sshll.u32 s13, $0xC;
	[tilespmem:s29+$0x1C0] =	vst v1  }
0x160: {  	[tilespmem:s29+$0x1D0] =	vst v1;
	s16 =	sadd.s32 s5, s16  }
0x161: {  	[tilespmem:s29+$0x1E0] =	vst v1;
	s30 =	sadd.s32 s1, s16  }
0x162: {  	[hbm4b:s30+s8] =	stream.strided.scatter [tilespmem:s3], [sflag:$0x1], $0x4000, s9, s8, $0x38;
	[tilespmem:$0x8000] =	vst v63  }
0x163: {  	s13 =	sadd.s32 $0x1, s13;
	_ =	swait.ge [sflag:s10], $0x4000  }
0x164: {  	p0 =	sne.s32 s13, $0x10;
	[sflag:s10] =	ssyncset.done $0x0  }
.Ltmp2:
0x165: {  	s31 =	sadd.s32 s16, s6;
	[sflag:s10] =	ssyncadd.s32 $0xFFFFC000;
	(pc) =	sbr.rel @p0 .LBB2_4-.Ltmp2, $4  }
0x166: {  	[hbm4b:s31+s8] =	stream.strided.scatter [tilespmem:s11], [sflag:$0x1], $0x4000, s9, s8, $0x38;
	[tilespmem:$0x8000] =	vst v63  }
0x167: {  	_ =	swait.ge [sflag:s10], $0x4000  }
0x168: {  	[sflag:s10] =	ssyncset.done $0x0  }
0x169: {  	s14 =	sadd.s32 $0x10, s14;
	[sflag:s10] =	ssyncadd.s32 $0xFFFFC000  }
0x16a: {  	s12 =	sadd.s32 $0x1, s12  }
0x16b: {  	p0 =	sne.s32 s12, s7  }
.Ltmp3:
0x16c: {  	_ = 	snop;
	(pc) =	sbr.rel @p0 .LBB2_1-.Ltmp3, $2  }
0x16d: {  	_ = 	snop  }
0x16e: {  	v1 =	vld [tilespmem:$0x1FFF0];
	_ =	sdelay $0x2  }
0x16f: {  	_ =	sfence.sel $0x180000  }
0x170: {  	[bflag:$0x0] =	sbarrier.arrive $0xFFFF  }
0x171: {  	p0 =	sne.s32 s2, $0x0;
	_ =	strace $0x90000047  }
0x172: {  	s0 =	sadd.s32 @!p0 $0x100000, s0;
	[bflag:$0x2] =	sbarrier.arrive $0xFFFF  }
0x173: {  	[sflag:s0] =	ssyncadd.tile.s32 @!p0 $0x1;
	_ =	shalt  }
.Lfunc_end2:
_tile_overlayer_lowered:
.L_overlay_start_2:
0x174: {  	(tag) =	ssettag $0x2  }
0x175: {  	s0 =	rddreg [dreg:$0x0];
	s2 =	stileid.u32  }
0x176: {  	s1 =	rddreg [dreg:$0x1];
	p0 =	sne.s32 s2, $0x0  }
0x177: {  	s3 =	rddreg [dreg:$0x2];
	[bflag:$0x3] =	sbarrier.arrive $0xFFFF;
	s2 =	simm.s32 @!p0 $0x1C01  }
0x178: {  	[timem:s3], [sflag:s2] =	dma.local @!p0 [hbm:s0], s1  }
0x179: {  	s0 =	simm.s32 @!p0 $0x1  }
0x17a: {  	_ =	swait.ge @!p0 [sflag:s0], s1  }
0x17b: {  	s1 =	ssub.s32 @!p0 $0x0, s1;
	[sflag:s0] =	ssyncset.done @!p0 $0x0  }
0x17c: {  	[sflag:s0] =	ssyncadd.s32 @!p0 s1  }
0x17d: {  	[bflag:$0x3] =	sbarrier.arrive $0xFFFF  }
0x17e: {  	_ =	shalt  }

</sc_bundles>
